<compile_context>
chip_gen: v7x
topology: tpu7x:2x2x1
jax: 0.10.2.dev20260603
libtpu: 0.0.44.dev20260713+nightly
codegen_flags: <defaults>
</compile_context>

<pallas_src>
import functools

import jax
import jax.numpy as jnp
from jax import lax
from jax.experimental import pallas as pl
from jax.experimental.pallas import tpu as pltpu
from jax.experimental.pallas import tpu_sc as plsc

V = 100000
D = 64
SL = 50
L = 200
B = 16
K = 5
H1 = 250
H2 = 100
HG = 100
HL = 50

C = B * L
CP = 3328
TOT = CP * SL
NW = 32
PW = TOT // NW
CH = 104
NCH = PW // CH

H1P = 256
CB = 256

F32 = jnp.float32
BF16 = jnp.bfloat16


GCH = 520
NG = PW // GCH


def _sc_gather(emb_bf, xf):
    mesh = plsc.VectorSubcoreMesh(core_axis_name="c", subcore_axis_name="s")

    @functools.partial(
        pl.kernel,
        out_type=jax.ShapeDtypeStruct((TOT, D), BF16),
        mesh=mesh,
        compiler_params=pltpu.CompilerParams(use_tc_tiling_on_sc=False),
        scratch_types=[
            pltpu.VMEM((PW,), jnp.int32),
            pltpu.VMEM((GCH, D), BF16),
            pltpu.VMEM((GCH, D), BF16),
            pltpu.SemaphoreType.DMA,
            pltpu.SemaphoreType.DMA,
        ],
    )
    def gk(emb_h, xf_h, out_h, idx_v, r0, r1, s0, s1):
        wid = lax.axis_index("s") * 2 + lax.axis_index("c")
        base = wid * PW
        pltpu.sync_copy(xf_h.at[pl.ds(base, PW)], idx_v)

        bufs = (r0, r1)
        sems = (s0, s1)

        def mk(g, r, s):
            return pltpu.make_async_copy(
                emb_h.at[idx_v.at[pl.ds(g * GCH, GCH)]], r, s)

        mk(0, r0, s0).start()
        for g in range(NG):
            r, s = bufs[g % 2], sems[g % 2]
            if g + 1 < NG:
                mk(g + 1, bufs[(g + 1) % 2], sems[(g + 1) % 2]).start()
            mk(g, r, s).wait()
            pltpu.sync_copy(r, out_h.at[pl.ds(base + g * GCH, GCH)])

    return gk(emb_bf, xf)


def _conv1_body(e_ref, w_ref, b_ref, h_ref):
    w = w_ref[...]
    m = jnp.full((CB, H1P), -jnp.inf, dtype=F32)
    for t in range(SL - 2):
        lhs = e_ref[:, t * D:(t + 3) * D]
        y = jnp.dot(lhs, w, preferred_element_type=F32)
        m = jnp.maximum(m, y)
    h_ref[...] = jnp.maximum(m + b_ref[...], 0.0)


def _topk_body(logp_ref, z_ref):
    v = logp_ref[...]
    iot = lax.broadcasted_iota(jnp.int32, (B, L), 1)
    zm = jnp.zeros((B, L), dtype=F32)
    for _ in range(K):
        mval = jnp.max(v, axis=1, keepdims=True)
        idx = jnp.min(jnp.where(v == mval, iot, jnp.int32(2 ** 30)),
                      axis=1, keepdims=True)
        hit = iot == idx
        zm = jnp.where(hit, 1.0, zm)
        v = jnp.where(hit, -jnp.inf, v)
    z_ref[...] = zm


def _conv1d(x, w, b, pad=0):
    y = lax.conv_general_dilated(x, w, window_strides=(1,), padding=[(pad, pad)],
                                 dimension_numbers=('NCH', 'OIH', 'NCH'))
    return y + b[None, :, None]


def kernel(x, emb, w1, b1, w2, b2, wg, bg, wl1, bl1, wl2, bl2,
           wc1, bc1, wc2, bc2):
    xf = jnp.concatenate(
        [x.reshape(-1), jnp.zeros((TOT - C * SL,), dtype=jnp.int32)])
    e = _sc_gather(emb.astype(BF16), xf)
    e2 = e.reshape(CP, SL * D)

    w1c = jnp.pad(jnp.transpose(w1, (2, 1, 0)).reshape(3 * D, H1),
                  ((0, 0), (0, H1P - H1))).astype(BF16)
    b1p = jnp.pad(b1, (0, H1P - H1)).reshape(1, H1P)
    h = pl.pallas_call(
        _conv1_body,
        grid=(CP // CB,),
        in_specs=[
            pl.BlockSpec((CB, SL * D), lambda i: (i, 0)),
            pl.BlockSpec((3 * D, H1P), lambda i: (0, 0)),
            pl.BlockSpec((1, H1P), lambda i: (0, 0)),
        ],
        out_specs=pl.BlockSpec((CB, H1P), lambda i: (i, 0)),
        out_shape=jax.ShapeDtypeStruct((CP, H1P), F32),
    )(e2, w1c, b1p)

    h3 = h[:C, :H1].reshape(B, L, H1).transpose(0, 2, 1)
    h2 = jax.nn.relu(_conv1d(h3, w2, b2, pad=1))
    g = jnp.max(h2, axis=-1)
    g = jax.nn.relu(g @ wg.T + bg)
    loc = jax.nn.relu(_conv1d(h3, wl1, bl1, pad=1))
    loc = jax.nn.relu(_conv1d(loc, wl2, bl2, pad=1))
    gexp = jnp.broadcast_to(g[:, None, :], (B, L, HG))
    cat = jnp.concatenate([gexp, loc.transpose(0, 2, 1)], axis=-1)
    c = cat.transpose(0, 2, 1)
    c = jax.nn.relu(_conv1d(c, wc1, bc1))
    c = _conv1d(c, wc2, bc2)
    logp = jax.nn.log_softmax(c[:, 0, :], axis=-1)

    z = pl.pallas_call(
        _topk_body,
        in_specs=[pl.BlockSpec((B, L), lambda: (0, 0))],
        out_specs=pl.BlockSpec((B, L), lambda: (0, 0)),
        out_shape=jax.ShapeDtypeStruct((B, L), F32),
    )(logp)

    return logp, z

# --- scband reference (transcript-rebuilt; emitter-appended) ---
"""Pipeline reference for scband-explainer-39376260169746 (READ-ONLY COPY).

The authoritative reference and input builder live on the scoring server;
editing this copy changes nothing except your own understanding.
"""

import jax, jax.numpy as jnp
import numpy as np

V = 100000; D = 64; SL = 50; L = 200; B = 16; K = 5
H1 = 250; H2 = 100; HG = 100; HL = 50


def conv1d(x, w, b, pad=0):
    y = jax.lax.conv_general_dilated(x, w, window_strides=(1,), padding=[(pad, pad)],
                                     dimension_numbers=('NCH', 'OIH', 'NCH'))
    return y + b[None, :, None]


def setup_inputs(seed: int = 0) -> dict:
    key = jax.random.key(seed)
    ks = jax.random.split(key, 20)
    x = jax.random.randint(ks[0], (B, L * SL), 0, V, dtype=jnp.int32)
    emb = jax.random.normal(ks[1], (V, D), dtype=jnp.float32) * 0.1
    w1 = jax.random.normal(ks[2], (H1, D, 3), dtype=jnp.float32) * 0.05
    b1 = jax.random.normal(ks[3], (H1,), dtype=jnp.float32) * 0.01
    w2 = jax.random.normal(ks[4], (H2, H1, 3), dtype=jnp.float32) * 0.05
    b2 = jax.random.normal(ks[5], (H2,), dtype=jnp.float32) * 0.01
    wg = jax.random.normal(ks[6], (HG, H2), dtype=jnp.float32) * 0.05
    bg = jax.random.normal(ks[7], (HG,), dtype=jnp.float32) * 0.01
    wl1 = jax.random.normal(ks[8], (50, H1, 3), dtype=jnp.float32) * 0.05
    bl1 = jax.random.normal(ks[9], (50,), dtype=jnp.float32) * 0.01
    wl2 = jax.random.normal(ks[10], (HL, 50, 3), dtype=jnp.float32) * 0.05
    bl2 = jax.random.normal(ks[11], (HL,), dtype=jnp.float32) * 0.01
    wc1 = jax.random.normal(ks[12], (50, HG + HL, 1), dtype=jnp.float32) * 0.05
    bc1 = jax.random.normal(ks[13], (50,), dtype=jnp.float32) * 0.01
    wc2 = jax.random.normal(ks[14], (1, 50, 1), dtype=jnp.float32) * 0.05
    bc2 = jax.random.normal(ks[15], (1,), dtype=jnp.float32) * 0.01
    return {"x": x, "emb": emb, "w1": w1, "b1": b1, "w2": w2, "b2": b2,
            "wg": wg, "bg": bg, "wl1": wl1, "bl1": bl1, "wl2": wl2, "bl2": bl2,
            "wc1": wc1, "bc1": bc1, "wc2": wc2, "bc2": bc2}


def reference(x, emb, w1, b1, w2, b2, wg, bg, wl1, bl1, wl2, bl2, wc1, bc1, wc2, bc2):
    # embedding lookup (gather)
    e = jnp.take(emb, x, axis=0)                      # (B, L*SL, D)
    h = e.reshape(B * L, SL, D).transpose(0, 2, 1)    # (B*L, D, SL)
    # sent_encoder: Conv1d(D->H1, k=3) + ReLU + MaxPool over SL-2 (dropout is eval-mode identity)
    h = jax.nn.relu(conv1d(h, w1, b1))                # (B*L, H1, SL-2)
    h = jnp.max(h, axis=-1)                           # (B*L, H1)
    h = h.reshape(B, L, H1).transpose(0, 2, 1)        # (B, H1, L)
    # sent_encoder2 (global branch trunk)
    h2 = jax.nn.relu(conv1d(h, w2, b2, pad=1))        # (B, H2, L)
    g = jnp.max(h2, axis=-1)                          # (B, H2) global max-pool over chunks
    g = jax.nn.relu(g @ wg.T + bg)                    # (B, HG) sent_encoder_global
    # sent_encoder_local
    loc = jax.nn.relu(conv1d(h, wl1, bl1, pad=1))     # (B, 50, L)
    loc = jax.nn.relu(conv1d(loc, wl2, bl2, pad=1))   # (B, HL, L)
    # Concatenate(global, local): expand global over chunk dim
    gexp = jnp.broadcast_to(g[:, None, :], (B, L, HG))
    cat = jnp.concatenate([gexp, loc.transpose(0, 2, 1)], axis=-1)  # (B, L, HG+HL)
    c = cat.transpose(0, 2, 1)                        # (B, HG+HL, L)
    # sent_encoder_combined: 1x1 convs + LogSoftmax over chunks
    c = jax.nn.relu(conv1d(c, wc1, bc1))              # (B, 50, L)
    c = conv1d(c, wc2, bc2)                           # (B, 1, L)
    logp = jax.nn.log_softmax(c[:, 0, :], axis=-1)    # (B, L)
    # deterministic top-K chunk selection + idxtobool mask (scatter-set)
    vals, idx = jax.lax.top_k(logp, K)                # (B, K)
    rows = jnp.arange(B)[:, None]
    Z_hat = jnp.zeros((B, L), dtype=logp.dtype).at[rows, idx].set(1.0)
    return (logp, Z_hat)

if __name__ == "__main__":
    import jax
    _d = setup_inputs()
    print(jax.jit(kernel)(*tuple(_d.values())))

</pallas_src>

<mosaic_0001>
#map = affine_map<(d0, d1) -> (0, 0)>
#map1 = affine_map<(d0, d1) -> (0)>
module attributes {stable_mosaic.version = 14 : i64} {
  func.func @gk(%arg0: i32, %arg1: i32, %arg2: memref<100000x64xbf16, #tpu.memory_space<hbm>>, %arg3: memref<166400xi32, #tpu.memory_space<hbm>>, %arg4: memref<166400x64xbf16, #tpu.memory_space<hbm>>, %arg5: memref<5200xi32, #tpu.memory_space<vmem>>, %arg6: memref<520x64xbf16, #tpu.memory_space<vmem>>, %arg7: memref<520x64xbf16, #tpu.memory_space<vmem>>, %arg8: memref<!tpu.dma_semaphore, #tpu.memory_space<semaphore_mem>>, %arg9: memref<!tpu.dma_semaphore, #tpu.memory_space<semaphore_mem>>) attributes {dimension_semantics = [#tpu.dimension_semantics<core_parallel>, #tpu.dimension_semantics<subcore_parallel>], iteration_bounds = array<i64: 2, 16>, scalar_prefetch = 0 : i64, scratch_operands = 5 : i64, tpu.core_type = #tpu.core_type<sc_vector_subcore>, window_params = [{transform_indices = #map}, {transform_indices = #map1}, {transform_indices = #map}]} {
    %mul3A = arith.constant 2 : i32
    %mul3A_0 = arith.muli %arg1, %mul3A : i32
    %add3A = arith.addi %mul3A_0, %arg0 : i32
    %mul3A_1 = arith.constant 5200 : i32
    %mul3A_2 = arith.muli %add3A, %mul3A_1 : i32
    "tpu.region"() ({
      %run_scoped3A = tpu.sem_alloc : memref<!tpu.dma_semaphore, #tpu.memory_space<semaphore_mem>>
      %dma_start3A_121 = tpu.memref_slice %arg3[%mul3A_2] : memref<166400xi32, #tpu.memory_space<hbm>> -> memref<5200xi32, #tpu.memory_space<hbm>>
      %dma_start3A_122 = tpu.memref_slice %arg3[%mul3A_2] : memref<166400xi32, #tpu.memory_space<hbm>> -> memref<5200xi32, #tpu.memory_space<hbm>>
      tpu.enqueue_dma source(%dma_start3A_122 : memref<5200xi32, #tpu.memory_space<hbm>>) target(%arg5 : memref<5200xi32, #tpu.memory_space<vmem>>) target_semaphore(%run_scoped3A : memref<!tpu.dma_semaphore, #tpu.memory_space<semaphore_mem>>)
      %dma_wait3A_123 = tpu.memref_slice %arg3[%mul3A_2] : memref<166400xi32, #tpu.memory_space<hbm>> -> memref<5200xi32, #tpu.memory_space<hbm>>
      %dma_wait3A_124 = tpu.memref_slice %arg3[%mul3A_2] : memref<166400xi32, #tpu.memory_space<hbm>> -> memref<5200xi32, #tpu.memory_space<hbm>>
      tpu.wait_dma2 semaphore(%run_scoped3A : memref<!tpu.dma_semaphore, #tpu.memory_space<semaphore_mem>>) src(%dma_wait3A_124 : memref<5200xi32, #tpu.memory_space<hbm>>) dst(%arg5 : memref<5200xi32, #tpu.memory_space<vmem>>)
      tpu.yield
    }) : () -> ()
    %dma_start3A = arith.constant 0 : i32
    %dma_start3A_3 = tpu.memref_slice %arg5[%dma_start3A] : memref<5200xi32, #tpu.memory_space<vmem>> -> memref<520xi32, #tpu.memory_space<vmem>>
    %dma_start3A_4 = arith.constant 0 : i32
    %dma_start3A_5 = arith.constant 0 : i32
    %dma_start3A_6 = tpu.memref_slice %arg2[%dma_start3A_4, %dma_start3A_5] : memref<100000x64xbf16, #tpu.memory_space<hbm>> -> memref<100000x64xbf16, #tpu.memory_space<hbm>>
    tpu.enqueue_indirect_dma source(%dma_start3A_6 : memref<100000x64xbf16, #tpu.memory_space<hbm>>) target(%arg6 : memref<520x64xbf16, #tpu.memory_space<vmem>>) offsets(%dma_start3A_3 : memref<520xi32, #tpu.memory_space<vmem>>) semaphore(%arg8 : memref<!tpu.dma_semaphore, #tpu.memory_space<semaphore_mem>>)
    %dma_start3A_7 = arith.constant 520 : i32
    %dma_start3A_8 = tpu.memref_slice %arg5[%dma_start3A_7] : memref<5200xi32, #tpu.memory_space<vmem>> -> memref<520xi32, #tpu.memory_space<vmem>>
    %dma_start3A_9 = arith.constant 0 : i32
    %dma_start3A_10 = arith.constant 0 : i32
    %dma_start3A_11 = tpu.memref_slice %arg2[%dma_start3A_9, %dma_start3A_10] : memref<100000x64xbf16, #tpu.memory_space<hbm>> -> memref<100000x64xbf16, #tpu.memory_space<hbm>>
    tpu.enqueue_indirect_dma source(%dma_start3A_11 : memref<100000x64xbf16, #tpu.memory_space<hbm>>) target(%arg7 : memref<520x64xbf16, #tpu.memory_space<vmem>>) offsets(%dma_start3A_8 : memref<520xi32, #tpu.memory_space<vmem>>) semaphore(%arg9 : memref<!tpu.dma_semaphore, #tpu.memory_space<semaphore_mem>>)
    %dma_wait3A = arith.constant 0 : i32
    %dma_wait3A_12 = tpu.memref_slice %arg5[%dma_wait3A] : memref<5200xi32, #tpu.memory_space<vmem>> -> memref<520xi32, #tpu.memory_space<vmem>>
    %dma_wait3A_13 = arith.constant 0 : i32
    %dma_wait3A_14 = arith.constant 0 : i32
    %dma_wait3A_15 = tpu.memref_slice %arg2[%dma_wait3A_13, %dma_wait3A_14] : memref<100000x64xbf16, #tpu.memory_space<hbm>> -> memref<100000x64xbf16, #tpu.memory_space<hbm>>
    tpu.wait_indirect_dma semaphore(%arg8 : memref<!tpu.dma_semaphore, #tpu.memory_space<semaphore_mem>>) src(%dma_wait3A_15 : memref<100000x64xbf16, #tpu.memory_space<hbm>>) dst(%arg6 : memref<520x64xbf16, #tpu.memory_space<vmem>>)
    %add3A_16 = arith.constant 0 : i32
    %add3A_17 = arith.addi %mul3A_2, %add3A_16 : i32
    "tpu.region"() ({
      %run_scoped3A = tpu.sem_alloc : memref<!tpu.dma_semaphore, #tpu.memory_space<semaphore_mem>>
      %dma_start3A_121 = arith.constant 0 : i32
      %dma_start3A_122 = tpu.memref_slice %arg4[%add3A_17, %dma_start3A_121] : memref<166400x64xbf16, #tpu.memory_space<hbm>> -> memref<520x64xbf16, #tpu.memory_space<hbm>>
      %dma_start3A_123 = arith.constant 0 : i32
      %dma_start3A_124 = tpu.memref_slice %arg4[%add3A_17, %dma_start3A_123] : memref<166400x64xbf16, #tpu.memory_space<hbm>> -> memref<520x64xbf16, #tpu.memory_space<hbm>>
      tpu.enqueue_dma source(%arg6 : memref<520x64xbf16, #tpu.memory_space<vmem>>) target(%dma_start3A_124 : memref<520x64xbf16, #tpu.memory_space<hbm>>) target_semaphore(%run_scoped3A : memref<!tpu.dma_semaphore, #tpu.memory_space<semaphore_mem>>)
      %dma_wait3A_125 = arith.constant 0 : i32
      %dma_wait3A_126 = tpu.memref_slice %arg4[%add3A_17, %dma_wait3A_125] : memref<166400x64xbf16, #tpu.memory_space<hbm>> -> memref<520x64xbf16, #tpu.memory_space<hbm>>
      %dma_wait3A_127 = arith.constant 0 : i32
      %dma_wait3A_128 = tpu.memref_slice %arg4[%add3A_17, %dma_wait3A_127] : memref<166400x64xbf16, #tpu.memory_space<hbm>> -> memref<520x64xbf16, #tpu.memory_space<hbm>>
      tpu.wait_dma2 semaphore(%run_scoped3A : memref<!tpu.dma_semaphore, #tpu.memory_space<semaphore_mem>>) src(%arg6 : memref<520x64xbf16, #tpu.memory_space<vmem>>) dst(%dma_wait3A_128 : memref<520x64xbf16, #tpu.memory_space<hbm>>)
      tpu.yield
    }) : () -> ()
    %dma_start3A_18 = arith.constant 1040 : i32
    %dma_start3A_19 = tpu.memref_slice %arg5[%dma_start3A_18] : memref<5200xi32, #tpu.memory_space<vmem>> -> memref<520xi32, #tpu.memory_space<vmem>>
    %dma_start3A_20 = arith.constant 0 : i32
    %dma_start3A_21 = arith.constant 0 : i32
    %dma_start3A_22 = tpu.memref_slice %arg2[%dma_start3A_20, %dma_start3A_21] : memref<100000x64xbf16, #tpu.memory_space<hbm>> -> memref<100000x64xbf16, #tpu.memory_space<hbm>>
    tpu.enqueue_indirect_dma source(%dma_start3A_22 : memref<100000x64xbf16, #tpu.memory_space<hbm>>) target(%arg6 : memref<520x64xbf16, #tpu.memory_space<vmem>>) offsets(%dma_start3A_19 : memref<520xi32, #tpu.memory_space<vmem>>) semaphore(%arg8 : memref<!tpu.dma_semaphore, #tpu.memory_space<semaphore_mem>>)
    %dma_wait3A_23 = arith.constant 520 : i32
    %dma_wait3A_24 = tpu.memref_slice %arg5[%dma_wait3A_23] : memref<5200xi32, #tpu.memory_space<vmem>> -> memref<520xi32, #tpu.memory_space<vmem>>
    %dma_wait3A_25 = arith.constant 0 : i32
    %dma_wait3A_26 = arith.constant 0 : i32
    %dma_wait3A_27 = tpu.memref_slice %arg2[%dma_wait3A_25, %dma_wait3A_26] : memref<100000x64xbf16, #tpu.memory_space<hbm>> -> memref<100000x64xbf16, #tpu.memory_space<hbm>>
    tpu.wait_indirect_dma semaphore(%arg9 : memref<!tpu.dma_semaphore, #tpu.memory_space<semaphore_mem>>) src(%dma_wait3A_27 : memref<100000x64xbf16, #tpu.memory_space<hbm>>) dst(%arg7 : memref<520x64xbf16, #tpu.memory_space<vmem>>)
    %add3A_28 = arith.constant 520 : i32
    %add3A_29 = arith.addi %mul3A_2, %add3A_28 : i32
    "tpu.region"() ({
      %run_scoped3A = tpu.sem_alloc : memref<!tpu.dma_semaphore, #tpu.memory_space<semaphore_mem>>
      %dma_start3A_121 = arith.constant 0 : i32
      %dma_start3A_122 = tpu.memref_slice %arg4[%add3A_29, %dma_start3A_121] : memref<166400x64xbf16, #tpu.memory_space<hbm>> -> memref<520x64xbf16, #tpu.memory_space<hbm>>
      %dma_start3A_123 = arith.constant 0 : i32
      %dma_start3A_124 = tpu.memref_slice %arg4[%add3A_29, %dma_start3A_123] : memref<166400x64xbf16, #tpu.memory_space<hbm>> -> memref<520x64xbf16, #tpu.memory_space<hbm>>
      tpu.enqueue_dma source(%arg7 : memref<520x64xbf16, #tpu.memory_space<vmem>>) target(%dma_start3A_124 : memref<520x64xbf16, #tpu.memory_space<hbm>>) target_semaphore(%run_scoped3A : memref<!tpu.dma_semaphore, #tpu.memory_space<semaphore_mem>>)
      %dma_wait3A_125 = arith.constant 0 : i32
      %dma_wait3A_126 = tpu.memref_slice %arg4[%add3A_29, %dma_wait3A_125] : memref<166400x64xbf16, #tpu.memory_space<hbm>> -> memref<520x64xbf16, #tpu.memory_space<hbm>>
      %dma_wait3A_127 = arith.constant 0 : i32
      %dma_wait3A_128 = tpu.memref_slice %arg4[%add3A_29, %dma_wait3A_127] : memref<166400x64xbf16, #tpu.memory_space<hbm>> -> memref<520x64xbf16, #tpu.memory_space<hbm>>
      tpu.wait_dma2 semaphore(%run_scoped3A : memref<!tpu.dma_semaphore, #tpu.memory_space<semaphore_mem>>) src(%arg7 : memref<520x64xbf16, #tpu.memory_space<vmem>>) dst(%dma_wait3A_128 : memref<520x64xbf16, #tpu.memory_space<hbm>>)
      tpu.yield
    }) : () -> ()
    %dma_start3A_30 = arith.constant 1560 : i32
    %dma_start3A_31 = tpu.memref_slice %arg5[%dma_start3A_30] : memref<5200xi32, #tpu.memory_space<vmem>> -> memref<520xi32, #tpu.memory_space<vmem>>
    %dma_start3A_32 = arith.constant 0 : i32
    %dma_start3A_33 = arith.constant 0 : i32
    %dma_start3A_34 = tpu.memref_slice %arg2[%dma_start3A_32, %dma_start3A_33] : memref<100000x64xbf16, #tpu.memory_space<hbm>> -> memref<100000x64xbf16, #tpu.memory_space<hbm>>
    tpu.enqueue_indirect_dma source(%dma_start3A_34 : memref<100000x64xbf16, #tpu.memory_space<hbm>>) target(%arg7 : memref<520x64xbf16, #tpu.memory_space<vmem>>) offsets(%dma_start3A_31 : memref<520xi32, #tpu.memory_space<vmem>>) semaphore(%arg9 : memref<!tpu.dma_semaphore, #tpu.memory_space<semaphore_mem>>)
    %dma_wait3A_35 = arith.constant 1040 : i32
    %dma_wait3A_36 = tpu.memref_slice %arg5[%dma_wait3A_35] : memref<5200xi32, #tpu.memory_space<vmem>> -> memref<520xi32, #tpu.memory_space<vmem>>
    %dma_wait3A_37 = arith.constant 0 : i32
    %dma_wait3A_38 = arith.constant 0 : i32
    %dma_wait3A_39 = tpu.memref_slice %arg2[%dma_wait3A_37, %dma_wait3A_38] : memref<100000x64xbf16, #tpu.memory_space<hbm>> -> memref<100000x64xbf16, #tpu.memory_space<hbm>>
    tpu.wait_indirect_dma semaphore(%arg8 : memref<!tpu.dma_semaphore, #tpu.memory_space<semaphore_mem>>) src(%dma_wait3A_39 : memref<100000x64xbf16, #tpu.memory_space<hbm>>) dst(%arg6 : memref<520x64xbf16, #tpu.memory_space<vmem>>)
    %add3A_40 = arith.constant 1040 : i32
    %add3A_41 = arith.addi %mul3A_2, %add3A_40 : i32
    "tpu.region"() ({
      %run_scoped3A = tpu.sem_alloc : memref<!tpu.dma_semaphore, #tpu.memory_space<semaphore_mem>>
      %dma_start3A_121 = arith.constant 0 : i32
      %dma_start3A_122 = tpu.memref_slice %arg4[%add3A_41, %dma_start3A_121] : memref<166400x64xbf16, #tpu.memory_space<hbm>> -> memref<520x64xbf16, #tpu.memory_space<hbm>>
      %dma_start3A_123 = arith.constant 0 : i32
      %dma_start3A_124 = tpu.memref_slice %arg4[%add3A_41, %dma_start3A_123] : memref<166400x64xbf16, #tpu.memory_space<hbm>> -> memref<520x64xbf16, #tpu.memory_space<hbm>>
      tpu.enqueue_dma source(%arg6 : memref<520x64xbf16, #tpu.memory_space<vmem>>) target(%dma_start3A_124 : memref<520x64xbf16, #tpu.memory_space<hbm>>) target_semaphore(%run_scoped3A : memref<!tpu.dma_semaphore, #tpu.memory_space<semaphore_mem>>)
      %dma_wait3A_125 = arith.constant 0 : i32
      %dma_wait3A_126 = tpu.memref_slice %arg4[%add3A_41, %dma_wait3A_125] : memref<166400x64xbf16, #tpu.memory_space<hbm>> -> memref<520x64xbf16, #tpu.memory_space<hbm>>
      %dma_wait3A_127 = arith.constant 0 : i32
      %dma_wait3A_128 = tpu.memref_slice %arg4[%add3A_41, %dma_wait3A_127] : memref<166400x64xbf16, #tpu.memory_space<hbm>> -> memref<520x64xbf16, #tpu.memory_space<hbm>>
      tpu.wait_dma2 semaphore(%run_scoped3A : memref<!tpu.dma_semaphore, #tpu.memory_space<semaphore_mem>>) src(%arg6 : memref<520x64xbf16, #tpu.memory_space<vmem>>) dst(%dma_wait3A_128 : memref<520x64xbf16, #tpu.memory_space<hbm>>)
      tpu.yield
    }) : () -> ()
    %dma_start3A_42 = arith.constant 2080 : i32
    %dma_start3A_43 = tpu.memref_slice %arg5[%dma_start3A_42] : memref<5200xi32, #tpu.memory_space<vmem>> -> memref<520xi32, #tpu.memory_space<vmem>>
    %dma_start3A_44 = arith.constant 0 : i32
    %dma_start3A_45 = arith.constant 0 : i32
    %dma_start3A_46 = tpu.memref_slice %arg2[%dma_start3A_44, %dma_start3A_45] : memref<100000x64xbf16, #tpu.memory_space<hbm>> -> memref<100000x64xbf16, #tpu.memory_space<hbm>>
    tpu.enqueue_indirect_dma source(%dma_start3A_46 : memref<100000x64xbf16, #tpu.memory_space<hbm>>) target(%arg6 : memref<520x64xbf16, #tpu.memory_space<vmem>>) offsets(%dma_start3A_43 : memref<520xi32, #tpu.memory_space<vmem>>) semaphore(%arg8 : memref<!tpu.dma_semaphore, #tpu.memory_space<semaphore_mem>>)
    %dma_wait3A_47 = arith.constant 1560 : i32
    %dma_wait3A_48 = tpu.memref_slice %arg5[%dma_wait3A_47] : memref<5200xi32, #tpu.memory_space<vmem>> -> memref<520xi32, #tpu.memory_space<vmem>>
    %dma_wait3A_49 = arith.constant 0 : i32
    %dma_wait3A_50 = arith.constant 0 : i32
    %dma_wait3A_51 = tpu.memref_slice %arg2[%dma_wait3A_49, %dma_wait3A_50] : memref<100000x64xbf16, #tpu.memory_space<hbm>> -> memref<100000x64xbf16, #tpu.memory_space<hbm>>
    tpu.wait_indirect_dma semaphore(%arg9 : memref<!tpu.dma_semaphore, #tpu.memory_space<semaphore_mem>>) src(%dma_wait3A_51 : memref<100000x64xbf16, #tpu.memory_space<hbm>>) dst(%arg7 : memref<520x64xbf16, #tpu.memory_space<vmem>>)
    %add3A_52 = arith.constant 1560 : i32
    %add3A_53 = arith.addi %mul3A_2, %add3A_52 : i32
    "tpu.region"() ({
      %run_scoped3A = tpu.sem_alloc : memref<!tpu.dma_semaphore, #tpu.memory_space<semaphore_mem>>
      %dma_start3A_121 = arith.constant 0 : i32
      %dma_start3A_122 = tpu.memref_slice %arg4[%add3A_53, %dma_start3A_121] : memref<166400x64xbf16, #tpu.memory_space<hbm>> -> memref<520x64xbf16, #tpu.memory_space<hbm>>
      %dma_start3A_123 = arith.constant 0 : i32
      %dma_start3A_124 = tpu.memref_slice %arg4[%add3A_53, %dma_start3A_123] : memref<166400x64xbf16, #tpu.memory_space<hbm>> -> memref<520x64xbf16, #tpu.memory_space<hbm>>
      tpu.enqueue_dma source(%arg7 : memref<520x64xbf16, #tpu.memory_space<vmem>>) target(%dma_start3A_124 : memref<520x64xbf16, #tpu.memory_space<hbm>>) target_semaphore(%run_scoped3A : memref<!tpu.dma_semaphore, #tpu.memory_space<semaphore_mem>>)
      %dma_wait3A_125 = arith.constant 0 : i32
      %dma_wait3A_126 = tpu.memref_slice %arg4[%add3A_53, %dma_wait3A_125] : memref<166400x64xbf16, #tpu.memory_space<hbm>> -> memref<520x64xbf16, #tpu.memory_space<hbm>>
      %dma_wait3A_127 = arith.constant 0 : i32
      %dma_wait3A_128 = tpu.memref_slice %arg4[%add3A_53, %dma_wait3A_127] : memref<166400x64xbf16, #tpu.memory_space<hbm>> -> memref<520x64xbf16, #tpu.memory_space<hbm>>
      tpu.wait_dma2 semaphore(%run_scoped3A : memref<!tpu.dma_semaphore, #tpu.memory_space<semaphore_mem>>) src(%arg7 : memref<520x64xbf16, #tpu.memory_space<vmem>>) dst(%dma_wait3A_128 : memref<520x64xbf16, #tpu.memory_space<hbm>>)
      tpu.yield
    }) : () -> ()
    %dma_start3A_54 = arith.constant 2600 : i32
    %dma_start3A_55 = tpu.memref_slice %arg5[%dma_start3A_54] : memref<5200xi32, #tpu.memory_space<vmem>> -> memref<520xi32, #tpu.memory_space<vmem>>
    %dma_start3A_56 = arith.constant 0 : i32
    %dma_start3A_57 = arith.constant 0 : i32
    %dma_start3A_58 = tpu.memref_slice %arg2[%dma_start3A_56, %dma_start3A_57] : memref<100000x64xbf16, #tpu.memory_space<hbm>> -> memref<100000x64xbf16, #tpu.memory_space<hbm>>
    tpu.enqueue_indirect_dma source(%dma_start3A_58 : memref<100000x64xbf16, #tpu.memory_space<hbm>>) target(%arg7 : memref<520x64xbf16, #tpu.memory_space<vmem>>) offsets(%dma_start3A_55 : memref<520xi32, #tpu.memory_space<vmem>>) semaphore(%arg9 : memref<!tpu.dma_semaphore, #tpu.memory_space<semaphore_mem>>)
    %dma_wait3A_59 = arith.constant 2080 : i32
    %dma_wait3A_60 = tpu.memref_slice %arg5[%dma_wait3A_59] : memref<5200xi32, #tpu.memory_space<vmem>> -> memref<520xi32, #tpu.memory_space<vmem>>
    %dma_wait3A_61 = arith.constant 0 : i32
    %dma_wait3A_62 = arith.constant 0 : i32
    %dma_wait3A_63 = tpu.memref_slice %arg2[%dma_wait3A_61, %dma_wait3A_62] : memref<100000x64xbf16, #tpu.memory_space<hbm>> -> memref<100000x64xbf16, #tpu.memory_space<hbm>>
    tpu.wait_indirect_dma semaphore(%arg8 : memref<!tpu.dma_semaphore, #tpu.memory_space<semaphore_mem>>) src(%dma_wait3A_63 : memref<100000x64xbf16, #tpu.memory_space<hbm>>) dst(%arg6 : memref<520x64xbf16, #tpu.memory_space<vmem>>)
    %add3A_64 = arith.constant 2080 : i32
    %add3A_65 = arith.addi %mul3A_2, %add3A_64 : i32
    "tpu.region"() ({
      %run_scoped3A = tpu.sem_alloc : memref<!tpu.dma_semaphore, #tpu.memory_space<semaphore_mem>>
      %dma_start3A_121 = arith.constant 0 : i32
      %dma_start3A_122 = tpu.memref_slice %arg4[%add3A_65, %dma_start3A_121] : memref<166400x64xbf16, #tpu.memory_space<hbm>> -> memref<520x64xbf16, #tpu.memory_space<hbm>>
      %dma_start3A_123 = arith.constant 0 : i32
      %dma_start3A_124 = tpu.memref_slice %arg4[%add3A_65, %dma_start3A_123] : memref<166400x64xbf16, #tpu.memory_space<hbm>> -> memref<520x64xbf16, #tpu.memory_space<hbm>>
      tpu.enqueue_dma source(%arg6 : memref<520x64xbf16, #tpu.memory_space<vmem>>) target(%dma_start3A_124 : memref<520x64xbf16, #tpu.memory_space<hbm>>) target_semaphore(%run_scoped3A : memref<!tpu.dma_semaphore, #tpu.memory_space<semaphore_mem>>)
      %dma_wait3A_125 = arith.constant 0 : i32
      %dma_wait3A_126 = tpu.memref_slice %arg4[%add3A_65, %dma_wait3A_125] : memref<166400x64xbf16, #tpu.memory_space<hbm>> -> memref<520x64xbf16, #tpu.memory_space<hbm>>
      %dma_wait3A_127 = arith.constant 0 : i32
      %dma_wait3A_128 = tpu.memref_slice %arg4[%add3A_65, %dma_wait3A_127] : memref<166400x64xbf16, #tpu.memory_space<hbm>> -> memref<520x64xbf16, #tpu.memory_space<hbm>>
      tpu.wait_dma2 semaphore(%run_scoped3A : memref<!tpu.dma_semaphore, #tpu.memory_space<semaphore_mem>>) src(%arg6 : memref<520x64xbf16, #tpu.memory_space<vmem>>) dst(%dma_wait3A_128 : memref<520x64xbf16, #tpu.memory_space<hbm>>)
      tpu.yield
    }) : () -> ()
    %dma_start3A_66 = arith.constant 3120 : i32
    %dma_start3A_67 = tpu.memref_slice %arg5[%dma_start3A_66] : memref<5200xi32, #tpu.memory_space<vmem>> -> memref<520xi32, #tpu.memory_space<vmem>>
    %dma_start3A_68 = arith.constant 0 : i32
    %dma_start3A_69 = arith.constant 0 : i32
    %dma_start3A_70 = tpu.memref_slice %arg2[%dma_start3A_68, %dma_start3A_69] : memref<100000x64xbf16, #tpu.memory_space<hbm>> -> memref<100000x64xbf16, #tpu.memory_space<hbm>>
    tpu.enqueue_indirect_dma source(%dma_start3A_70 : memref<100000x64xbf16, #tpu.memory_space<hbm>>) target(%arg6 : memref<520x64xbf16, #tpu.memory_space<vmem>>) offsets(%dma_start3A_67 : memref<520xi32, #tpu.memory_space<vmem>>) semaphore(%arg8 : memref<!tpu.dma_semaphore, #tpu.memory_space<semaphore_mem>>)
    %dma_wait3A_71 = arith.constant 2600 : i32
    %dma_wait3A_72 = tpu.memref_slice %arg5[%dma_wait3A_71] : memref<5200xi32, #tpu.memory_space<vmem>> -> memref<520xi32, #tpu.memory_space<vmem>>
    %dma_wait3A_73 = arith.constant 0 : i32
    %dma_wait3A_74 = arith.constant 0 : i32
    %dma_wait3A_75 = tpu.memref_slice %arg2[%dma_wait3A_73, %dma_wait3A_74] : memref<100000x64xbf16, #tpu.memory_space<hbm>> -> memref<100000x64xbf16, #tpu.memory_space<hbm>>
    tpu.wait_indirect_dma semaphore(%arg9 : memref<!tpu.dma_semaphore, #tpu.memory_space<semaphore_mem>>) src(%dma_wait3A_75 : memref<100000x64xbf16, #tpu.memory_space<hbm>>) dst(%arg7 : memref<520x64xbf16, #tpu.memory_space<vmem>>)
    %add3A_76 = arith.constant 2600 : i32
    %add3A_77 = arith.addi %mul3A_2, %add3A_76 : i32
    "tpu.region"() ({
      %run_scoped3A = tpu.sem_alloc : memref<!tpu.dma_semaphore, #tpu.memory_space<semaphore_mem>>
      %dma_start3A_121 = arith.constant 0 : i32
      %dma_start3A_122 = tpu.memref_slice %arg4[%add3A_77, %dma_start3A_121] : memref<166400x64xbf16, #tpu.memory_space<hbm>> -> memref<520x64xbf16, #tpu.memory_space<hbm>>
      %dma_start3A_123 = arith.constant 0 : i32
      %dma_start3A_124 = tpu.memref_slice %arg4[%add3A_77, %dma_start3A_123] : memref<166400x64xbf16, #tpu.memory_space<hbm>> -> memref<520x64xbf16, #tpu.memory_space<hbm>>
      tpu.enqueue_dma source(%arg7 : memref<520x64xbf16, #tpu.memory_space<vmem>>) target(%dma_start3A_124 : memref<520x64xbf16, #tpu.memory_space<hbm>>) target_semaphore(%run_scoped3A : memref<!tpu.dma_semaphore, #tpu.memory_space<semaphore_mem>>)
      %dma_wait3A_125 = arith.constant 0 : i32
      %dma_wait3A_126 = tpu.memref_slice %arg4[%add3A_77, %dma_wait3A_125] : memref<166400x64xbf16, #tpu.memory_space<hbm>> -> memref<520x64xbf16, #tpu.memory_space<hbm>>
      %dma_wait3A_127 = arith.constant 0 : i32
      %dma_wait3A_128 = tpu.memref_slice %arg4[%add3A_77, %dma_wait3A_127] : memref<166400x64xbf16, #tpu.memory_space<hbm>> -> memref<520x64xbf16, #tpu.memory_space<hbm>>
      tpu.wait_dma2 semaphore(%run_scoped3A : memref<!tpu.dma_semaphore, #tpu.memory_space<semaphore_mem>>) src(%arg7 : memref<520x64xbf16, #tpu.memory_space<vmem>>) dst(%dma_wait3A_128 : memref<520x64xbf16, #tpu.memory_space<hbm>>)
      tpu.yield
    }) : () -> ()
    %dma_start3A_78 = arith.constant 3640 : i32
    %dma_start3A_79 = tpu.memref_slice %arg5[%dma_start3A_78] : memref<5200xi32, #tpu.memory_space<vmem>> -> memref<520xi32, #tpu.memory_space<vmem>>
    %dma_start3A_80 = arith.constant 0 : i32
    %dma_start3A_81 = arith.constant 0 : i32
    %dma_start3A_82 = tpu.memref_slice %arg2[%dma_start3A_80, %dma_start3A_81] : memref<100000x64xbf16, #tpu.memory_space<hbm>> -> memref<100000x64xbf16, #tpu.memory_space<hbm>>
    tpu.enqueue_indirect_dma source(%dma_start3A_82 : memref<100000x64xbf16, #tpu.memory_space<hbm>>) target(%arg7 : memref<520x64xbf16, #tpu.memory_space<vmem>>) offsets(%dma_start3A_79 : memref<520xi32, #tpu.memory_space<vmem>>) semaphore(%arg9 : memref<!tpu.dma_semaphore, #tpu.memory_space<semaphore_mem>>)
    %dma_wait3A_83 = arith.constant 3120 : i32
    %dma_wait3A_84 = tpu.memref_slice %arg5[%dma_wait3A_83] : memref<5200xi32, #tpu.memory_space<vmem>> -> memref<520xi32, #tpu.memory_space<vmem>>
    %dma_wait3A_85 = arith.constant 0 : i32
    %dma_wait3A_86 = arith.constant 0 : i32
    %dma_wait3A_87 = tpu.memref_slice %arg2[%dma_wait3A_85, %dma_wait3A_86] : memref<100000x64xbf16, #tpu.memory_space<hbm>> -> memref<100000x64xbf16, #tpu.memory_space<hbm>>
    tpu.wait_indirect_dma semaphore(%arg8 : memref<!tpu.dma_semaphore, #tpu.memory_space<semaphore_mem>>) src(%dma_wait3A_87 : memref<100000x64xbf16, #tpu.memory_space<hbm>>) dst(%arg6 : memref<520x64xbf16, #tpu.memory_space<vmem>>)
    %add3A_88 = arith.constant 3120 : i32
    %add3A_89 = arith.addi %mul3A_2, %add3A_88 : i32
    "tpu.region"() ({
      %run_scoped3A = tpu.sem_alloc : memref<!tpu.dma_semaphore, #tpu.memory_space<semaphore_mem>>
      %dma_start3A_121 = arith.constant 0 : i32
      %dma_start3A_122 = tpu.memref_slice %arg4[%add3A_89, %dma_start3A_121] : memref<166400x64xbf16, #tpu.memory_space<hbm>> -> memref<520x64xbf16, #tpu.memory_space<hbm>>
      %dma_start3A_123 = arith.constant 0 : i32
      %dma_start3A_124 = tpu.memref_slice %arg4[%add3A_89, %dma_start3A_123] : memref<166400x64xbf16, #tpu.memory_space<hbm>> -> memref<520x64xbf16, #tpu.memory_space<hbm>>
      tpu.enqueue_dma source(%arg6 : memref<520x64xbf16, #tpu.memory_space<vmem>>) target(%dma_start3A_124 : memref<520x64xbf16, #tpu.memory_space<hbm>>) target_semaphore(%run_scoped3A : memref<!tpu.dma_semaphore, #tpu.memory_space<semaphore_mem>>)
      %dma_wait3A_125 = arith.constant 0 : i32
      %dma_wait3A_126 = tpu.memref_slice %arg4[%add3A_89, %dma_wait3A_125] : memref<166400x64xbf16, #tpu.memory_space<hbm>> -> memref<520x64xbf16, #tpu.memory_space<hbm>>
      %dma_wait3A_127 = arith.constant 0 : i32
      %dma_wait3A_128 = tpu.memref_slice %arg4[%add3A_89, %dma_wait3A_127] : memref<166400x64xbf16, #tpu.memory_space<hbm>> -> memref<520x64xbf16, #tpu.memory_space<hbm>>
      tpu.wait_dma2 semaphore(%run_scoped3A : memref<!tpu.dma_semaphore, #tpu.memory_space<semaphore_mem>>) src(%arg6 : memref<520x64xbf16, #tpu.memory_space<vmem>>) dst(%dma_wait3A_128 : memref<520x64xbf16, #tpu.memory_space<hbm>>)
      tpu.yield
    }) : () -> ()
    %dma_start3A_90 = arith.constant 4160 : i32
    %dma_start3A_91 = tpu.memref_slice %arg5[%dma_start3A_90] : memref<5200xi32, #tpu.memory_space<vmem>> -> memref<520xi32, #tpu.memory_space<vmem>>
    %dma_start3A_92 = arith.constant 0 : i32
    %dma_start3A_93 = arith.constant 0 : i32
    %dma_start3A_94 = tpu.memref_slice %arg2[%dma_start3A_92, %dma_start3A_93] : memref<100000x64xbf16, #tpu.memory_space<hbm>> -> memref<100000x64xbf16, #tpu.memory_space<hbm>>
    tpu.enqueue_indirect_dma source(%dma_start3A_94 : memref<100000x64xbf16, #tpu.memory_space<hbm>>) target(%arg6 : memref<520x64xbf16, #tpu.memory_space<vmem>>) offsets(%dma_start3A_91 : memref<520xi32, #tpu.memory_space<vmem>>) semaphore(%arg8 : memref<!tpu.dma_semaphore, #tpu.memory_space<semaphore_mem>>)
    %dma_wait3A_95 = arith.constant 3640 : i32
    %dma_wait3A_96 = tpu.memref_slice %arg5[%dma_wait3A_95] : memref<5200xi32, #tpu.memory_space<vmem>> -> memref<520xi32, #tpu.memory_space<vmem>>
    %dma_wait3A_97 = arith.constant 0 : i32
    %dma_wait3A_98 = arith.constant 0 : i32
    %dma_wait3A_99 = tpu.memref_slice %arg2[%dma_wait3A_97, %dma_wait3A_98] : memref<100000x64xbf16, #tpu.memory_space<hbm>> -> memref<100000x64xbf16, #tpu.memory_space<hbm>>
    tpu.wait_indirect_dma semaphore(%arg9 : memref<!tpu.dma_semaphore, #tpu.memory_space<semaphore_mem>>) src(%dma_wait3A_99 : memref<100000x64xbf16, #tpu.memory_space<hbm>>) dst(%arg7 : memref<520x64xbf16, #tpu.memory_space<vmem>>)
    %add3A_100 = arith.constant 3640 : i32
    %add3A_101 = arith.addi %mul3A_2, %add3A_100 : i32
    "tpu.region"() ({
      %run_scoped3A = tpu.sem_alloc : memref<!tpu.dma_semaphore, #tpu.memory_space<semaphore_mem>>
      %dma_start3A_121 = arith.constant 0 : i32
      %dma_start3A_122 = tpu.memref_slice %arg4[%add3A_101, %dma_start3A_121] : memref<166400x64xbf16, #tpu.memory_space<hbm>> -> memref<520x64xbf16, #tpu.memory_space<hbm>>
      %dma_start3A_123 = arith.constant 0 : i32
      %dma_start3A_124 = tpu.memref_slice %arg4[%add3A_101, %dma_start3A_123] : memref<166400x64xbf16, #tpu.memory_space<hbm>> -> memref<520x64xbf16, #tpu.memory_space<hbm>>
      tpu.enqueue_dma source(%arg7 : memref<520x64xbf16, #tpu.memory_space<vmem>>) target(%dma_start3A_124 : memref<520x64xbf16, #tpu.memory_space<hbm>>) target_semaphore(%run_scoped3A : memref<!tpu.dma_semaphore, #tpu.memory_space<semaphore_mem>>)
      %dma_wait3A_125 = arith.constant 0 : i32
      %dma_wait3A_126 = tpu.memref_slice %arg4[%add3A_101, %dma_wait3A_125] : memref<166400x64xbf16, #tpu.memory_space<hbm>> -> memref<520x64xbf16, #tpu.memory_space<hbm>>
      %dma_wait3A_127 = arith.constant 0 : i32
      %dma_wait3A_128 = tpu.memref_slice %arg4[%add3A_101, %dma_wait3A_127] : memref<166400x64xbf16, #tpu.memory_space<hbm>> -> memref<520x64xbf16, #tpu.memory_space<hbm>>
      tpu.wait_dma2 semaphore(%run_scoped3A : memref<!tpu.dma_semaphore, #tpu.memory_space<semaphore_mem>>) src(%arg7 : memref<520x64xbf16, #tpu.memory_space<vmem>>) dst(%dma_wait3A_128 : memref<520x64xbf16, #tpu.memory_space<hbm>>)
      tpu.yield
    }) : () -> ()
    %dma_start3A_102 = arith.constant 4680 : i32
    %dma_start3A_103 = tpu.memref_slice %arg5[%dma_start3A_102] : memref<5200xi32, #tpu.memory_space<vmem>> -> memref<520xi32, #tpu.memory_space<vmem>>
    %dma_start3A_104 = arith.constant 0 : i32
    %dma_start3A_105 = arith.constant 0 : i32
    %dma_start3A_106 = tpu.memref_slice %arg2[%dma_start3A_104, %dma_start3A_105] : memref<100000x64xbf16, #tpu.memory_space<hbm>> -> memref<100000x64xbf16, #tpu.memory_space<hbm>>
    tpu.enqueue_indirect_dma source(%dma_start3A_106 : memref<100000x64xbf16, #tpu.memory_space<hbm>>) target(%arg7 : memref<520x64xbf16, #tpu.memory_space<vmem>>) offsets(%dma_start3A_103 : memref<520xi32, #tpu.memory_space<vmem>>) semaphore(%arg9 : memref<!tpu.dma_semaphore, #tpu.memory_space<semaphore_mem>>)
    %dma_wait3A_107 = arith.constant 4160 : i32
    %dma_wait3A_108 = tpu.memref_slice %arg5[%dma_wait3A_107] : memref<5200xi32, #tpu.memory_space<vmem>> -> memref<520xi32, #tpu.memory_space<vmem>>
    %dma_wait3A_109 = arith.constant 0 : i32
    %dma_wait3A_110 = arith.constant 0 : i32
    %dma_wait3A_111 = tpu.memref_slice %arg2[%dma_wait3A_109, %dma_wait3A_110] : memref<100000x64xbf16, #tpu.memory_space<hbm>> -> memref<100000x64xbf16, #tpu.memory_space<hbm>>
    tpu.wait_indirect_dma semaphore(%arg8 : memref<!tpu.dma_semaphore, #tpu.memory_space<semaphore_mem>>) src(%dma_wait3A_111 : memref<100000x64xbf16, #tpu.memory_space<hbm>>) dst(%arg6 : memref<520x64xbf16, #tpu.memory_space<vmem>>)
    %add3A_112 = arith.constant 4160 : i32
    %add3A_113 = arith.addi %mul3A_2, %add3A_112 : i32
    "tpu.region"() ({
      %run_scoped3A = tpu.sem_alloc : memref<!tpu.dma_semaphore, #tpu.memory_space<semaphore_mem>>
      %dma_start3A_121 = arith.constant 0 : i32
      %dma_start3A_122 = tpu.memref_slice %arg4[%add3A_113, %dma_start3A_121] : memref<166400x64xbf16, #tpu.memory_space<hbm>> -> memref<520x64xbf16, #tpu.memory_space<hbm>>
      %dma_start3A_123 = arith.constant 0 : i32
      %dma_start3A_124 = tpu.memref_slice %arg4[%add3A_113, %dma_start3A_123] : memref<166400x64xbf16, #tpu.memory_space<hbm>> -> memref<520x64xbf16, #tpu.memory_space<hbm>>
      tpu.enqueue_dma source(%arg6 : memref<520x64xbf16, #tpu.memory_space<vmem>>) target(%dma_start3A_124 : memref<520x64xbf16, #tpu.memory_space<hbm>>) target_semaphore(%run_scoped3A : memref<!tpu.dma_semaphore, #tpu.memory_space<semaphore_mem>>)
      %dma_wait3A_125 = arith.constant 0 : i32
      %dma_wait3A_126 = tpu.memref_slice %arg4[%add3A_113, %dma_wait3A_125] : memref<166400x64xbf16, #tpu.memory_space<hbm>> -> memref<520x64xbf16, #tpu.memory_space<hbm>>
      %dma_wait3A_127 = arith.constant 0 : i32
      %dma_wait3A_128 = tpu.memref_slice %arg4[%add3A_113, %dma_wait3A_127] : memref<166400x64xbf16, #tpu.memory_space<hbm>> -> memref<520x64xbf16, #tpu.memory_space<hbm>>
      tpu.wait_dma2 semaphore(%run_scoped3A : memref<!tpu.dma_semaphore, #tpu.memory_space<semaphore_mem>>) src(%arg6 : memref<520x64xbf16, #tpu.memory_space<vmem>>) dst(%dma_wait3A_128 : memref<520x64xbf16, #tpu.memory_space<hbm>>)
      tpu.yield
    }) : () -> ()
    %dma_wait3A_114 = arith.constant 4680 : i32
    %dma_wait3A_115 = tpu.memref_slice %arg5[%dma_wait3A_114] : memref<5200xi32, #tpu.memory_space<vmem>> -> memref<520xi32, #tpu.memory_space<vmem>>
    %dma_wait3A_116 = arith.constant 0 : i32
    %dma_wait3A_117 = arith.constant 0 : i32
    %dma_wait3A_118 = tpu.memref_slice %arg2[%dma_wait3A_116, %dma_wait3A_117] : memref<100000x64xbf16, #tpu.memory_space<hbm>> -> memref<100000x64xbf16, #tpu.memory_space<hbm>>
    tpu.wait_indirect_dma semaphore(%arg9 : memref<!tpu.dma_semaphore, #tpu.memory_space<semaphore_mem>>) src(%dma_wait3A_118 : memref<100000x64xbf16, #tpu.memory_space<hbm>>) dst(%arg7 : memref<520x64xbf16, #tpu.memory_space<vmem>>)
    %add3A_119 = arith.constant 4680 : i32
    %add3A_120 = arith.addi %mul3A_2, %add3A_119 : i32
    "tpu.region"() ({
      %run_scoped3A = tpu.sem_alloc : memref<!tpu.dma_semaphore, #tpu.memory_space<semaphore_mem>>
      %dma_start3A_121 = arith.constant 0 : i32
      %dma_start3A_122 = tpu.memref_slice %arg4[%add3A_120, %dma_start3A_121] : memref<166400x64xbf16, #tpu.memory_space<hbm>> -> memref<520x64xbf16, #tpu.memory_space<hbm>>
      %dma_start3A_123 = arith.constant 0 : i32
      %dma_start3A_124 = tpu.memref_slice %arg4[%add3A_120, %dma_start3A_123] : memref<166400x64xbf16, #tpu.memory_space<hbm>> -> memref<520x64xbf16, #tpu.memory_space<hbm>>
      tpu.enqueue_dma source(%arg7 : memref<520x64xbf16, #tpu.memory_space<vmem>>) target(%dma_start3A_124 : memref<520x64xbf16, #tpu.memory_space<hbm>>) target_semaphore(%run_scoped3A : memref<!tpu.dma_semaphore, #tpu.memory_space<semaphore_mem>>)
      %dma_wait3A_125 = arith.constant 0 : i32
      %dma_wait3A_126 = tpu.memref_slice %arg4[%add3A_120, %dma_wait3A_125] : memref<166400x64xbf16, #tpu.memory_space<hbm>> -> memref<520x64xbf16, #tpu.memory_space<hbm>>
      %dma_wait3A_127 = arith.constant 0 : i32
      %dma_wait3A_128 = tpu.memref_slice %arg4[%add3A_120, %dma_wait3A_127] : memref<166400x64xbf16, #tpu.memory_space<hbm>> -> memref<520x64xbf16, #tpu.memory_space<hbm>>
      tpu.wait_dma2 semaphore(%run_scoped3A : memref<!tpu.dma_semaphore, #tpu.memory_space<semaphore_mem>>) src(%arg7 : memref<520x64xbf16, #tpu.memory_space<vmem>>) dst(%dma_wait3A_128 : memref<520x64xbf16, #tpu.memory_space<hbm>>)
      tpu.yield
    }) : () -> ()
    return
  }
}

module attributes {stable_mosaic.version = 14 : i64} {
  func.func @_conv1_body(%arg0: i32, %arg1: memref<256x3200xbf16, #tpu.memory_space<vmem>>, %arg2: memref<192x256xbf16, #tpu.memory_space<vmem>>, %arg3: memref<1x256xf32, #tpu.memory_space<vmem>>, %arg4: memref<256x256xf32, #tpu.memory_space<vmem>>) attributes {dimension_semantics = [#tpu.dimension_semantics<arbitrary>], iteration_bounds = array<i64: 13>, scalar_prefetch = 0 : i64, scratch_operands = 0 : i64, tpu.core_type = #tpu.core_type<tc>, window_params = [{transform_indices = @transform_0, window_bounds = array<i64: 256, 3200>}, {pipeline_mode = #tpu.pipeline_mode<synchronous>, transform_indices = @transform_1, window_bounds = array<i64: 192, 256>}, {pipeline_mode = #tpu.pipeline_mode<synchronous>, transform_indices = @transform_2, window_bounds = array<i64: 1, 256>}, {transform_indices = @transform_3, window_bounds = array<i64: 256, 256>}]} {
    %get3A = arith.constant 0 : index
    %get3A_0 = arith.constant 0 : index
    %get3A_1 = vector.load %arg2[%get3A, %get3A_0] : memref<192x256xbf16, #tpu.memory_space<vmem>>, vector<192x256xbf16>
    %broadcast_in_dim3A = arith.constant 0xFF800000 : f32
    %broadcast_in_dim3A_2 = vector.broadcast %broadcast_in_dim3A : f32 to vector<256x256xf32>
    %get3A_3 = arith.constant 0 : index
    %get3A_4 = arith.constant 0 : index
    %get3A_5 = vector.load %arg1[%get3A_3, %get3A_4] : memref<256x3200xbf16, #tpu.memory_space<vmem>>, vector<256x192xbf16>
    %dot_general3A = arith.constant dense<0.000000e+00> : vector<256x256xf32>
    %dot_general3A_6 = tpu.matmul %get3A_5, %get3A_1, %dot_general3A {dimension_numbers = #tpu.dot_dimension_numbers<[1], [0], [0], [1], [0, 0, 1, 1], [], []>, transpose_lhs_hint = false} : vector<256x192xbf16>, vector<192x256xbf16>, vector<256x256xf32> -> vector<256x256xf32>
    %max3A = arith.maximumf %broadcast_in_dim3A_2, %dot_general3A_6 : vector<256x256xf32>
    %get3A_7 = arith.constant 0 : index
    %get3A_8 = arith.constant 64 : index
    %get3A_9 = vector.load %arg1[%get3A_7, %get3A_8] : memref<256x3200xbf16, #tpu.memory_space<vmem>>, vector<256x192xbf16>
    %dot_general3A_10 = arith.constant dense<0.000000e+00> : vector<256x256xf32>
    %dot_general3A_11 = tpu.matmul %get3A_9, %get3A_1, %dot_general3A_10 {dimension_numbers = #tpu.dot_dimension_numbers<[1], [0], [0], [1], [0, 0, 1, 1], [], []>, transpose_lhs_hint = false} : vector<256x192xbf16>, vector<192x256xbf16>, vector<256x256xf32> -> vector<256x256xf32>
    %max3A_12 = arith.maximumf %max3A, %dot_general3A_11 : vector<256x256xf32>
    %get3A_13 = arith.constant 0 : index
    %get3A_14 = arith.constant 128 : index
    %get3A_15 = vector.load %arg1[%get3A_13, %get3A_14] : memref<256x3200xbf16, #tpu.memory_space<vmem>>, vector<256x192xbf16>
    %dot_general3A_16 = arith.constant dense<0.000000e+00> : vector<256x256xf32>
    %dot_general3A_17 = tpu.matmul %get3A_15, %get3A_1, %dot_general3A_16 {dimension_numbers = #tpu.dot_dimension_numbers<[1], [0], [0], [1], [0, 0, 1, 1], [], []>, transpose_lhs_hint = false} : vector<256x192xbf16>, vector<192x256xbf16>, vector<256x256xf32> -> vector<256x256xf32>
    %max3A_18 = arith.maximumf %max3A_12, %dot_general3A_17 : vector<256x256xf32>
    %get3A_19 = arith.constant 0 : index
    %get3A_20 = arith.constant 192 : index
    %get3A_21 = vector.load %arg1[%get3A_19, %get3A_20] : memref<256x3200xbf16, #tpu.memory_space<vmem>>, vector<256x192xbf16>
    %dot_general3A_22 = arith.constant dense<0.000000e+00> : vector<256x256xf32>
    %dot_general3A_23 = tpu.matmul %get3A_21, %get3A_1, %dot_general3A_22 {dimension_numbers = #tpu.dot_dimension_numbers<[1], [0], [0], [1], [0, 0, 1, 1], [], []>, transpose_lhs_hint = false} : vector<256x192xbf16>, vector<192x256xbf16>, vector<256x256xf32> -> vector<256x256xf32>
    %max3A_24 = arith.maximumf %max3A_18, %dot_general3A_23 : vector<256x256xf32>
    %get3A_25 = arith.constant 0 : index
    %get3A_26 = arith.constant 256 : index
    %get3A_27 = vector.load %arg1[%get3A_25, %get3A_26] : memref<256x3200xbf16, #tpu.memory_space<vmem>>, vector<256x192xbf16>
    %dot_general3A_28 = arith.constant dense<0.000000e+00> : vector<256x256xf32>
    %dot_general3A_29 = tpu.matmul %get3A_27, %get3A_1, %dot_general3A_28 {dimension_numbers = #tpu.dot_dimension_numbers<[1], [0], [0], [1], [0, 0, 1, 1], [], []>, transpose_lhs_hint = false} : vector<256x192xbf16>, vector<192x256xbf16>, vector<256x256xf32> -> vector<256x256xf32>
    %max3A_30 = arith.maximumf %max3A_24, %dot_general3A_29 : vector<256x256xf32>
    %get3A_31 = arith.constant 0 : index
    %get3A_32 = arith.constant 320 : index
    %get3A_33 = vector.load %arg1[%get3A_31, %get3A_32] : memref<256x3200xbf16, #tpu.memory_space<vmem>>, vector<256x192xbf16>
    %dot_general3A_34 = arith.constant dense<0.000000e+00> : vector<256x256xf32>
    %dot_general3A_35 = tpu.matmul %get3A_33, %get3A_1, %dot_general3A_34 {dimension_numbers = #tpu.dot_dimension_numbers<[1], [0], [0], [1], [0, 0, 1, 1], [], []>, transpose_lhs_hint = false} : vector<256x192xbf16>, vector<192x256xbf16>, vector<256x256xf32> -> vector<256x256xf32>
    %max3A_36 = arith.maximumf %max3A_30, %dot_general3A_35 : vector<256x256xf32>
    %get3A_37 = arith.constant 0 : index
    %get3A_38 = arith.constant 384 : index
    %get3A_39 = vector.load %arg1[%get3A_37, %get3A_38] : memref<256x3200xbf16, #tpu.memory_space<vmem>>, vector<256x192xbf16>
    %dot_general3A_40 = arith.constant dense<0.000000e+00> : vector<256x256xf32>
    %dot_general3A_41 = tpu.matmul %get3A_39, %get3A_1, %dot_general3A_40 {dimension_numbers = #tpu.dot_dimension_numbers<[1], [0], [0], [1], [0, 0, 1, 1], [], []>, transpose_lhs_hint = false} : vector<256x192xbf16>, vector<192x256xbf16>, vector<256x256xf32> -> vector<256x256xf32>
    %max3A_42 = arith.maximumf %max3A_36, %dot_general3A_41 : vector<256x256xf32>
    %get3A_43 = arith.constant 0 : index
    %get3A_44 = arith.constant 448 : index
    %get3A_45 = vector.load %arg1[%get3A_43, %get3A_44] : memref<256x3200xbf16, #tpu.memory_space<vmem>>, vector<256x192xbf16>
    %dot_general3A_46 = arith.constant dense<0.000000e+00> : vector<256x256xf32>
    %dot_general3A_47 = tpu.matmul %get3A_45, %get3A_1, %dot_general3A_46 {dimension_numbers = #tpu.dot_dimension_numbers<[1], [0], [0], [1], [0, 0, 1, 1], [], []>, transpose_lhs_hint = false} : vector<256x192xbf16>, vector<192x256xbf16>, vector<256x256xf32> -> vector<256x256xf32>
    %max3A_48 = arith.maximumf %max3A_42, %dot_general3A_47 : vector<256x256xf32>
    %get3A_49 = arith.constant 0 : index
    %get3A_50 = arith.constant 512 : index
    %get3A_51 = vector.load %arg1[%get3A_49, %get3A_50] : memref<256x3200xbf16, #tpu.memory_space<vmem>>, vector<256x192xbf16>
    %dot_general3A_52 = arith.constant dense<0.000000e+00> : vector<256x256xf32>
    %dot_general3A_53 = tpu.matmul %get3A_51, %get3A_1, %dot_general3A_52 {dimension_numbers = #tpu.dot_dimension_numbers<[1], [0], [0], [1], [0, 0, 1, 1], [], []>, transpose_lhs_hint = false} : vector<256x192xbf16>, vector<192x256xbf16>, vector<256x256xf32> -> vector<256x256xf32>
    %max3A_54 = arith.maximumf %max3A_48, %dot_general3A_53 : vector<256x256xf32>
    %get3A_55 = arith.constant 0 : index
    %get3A_56 = arith.constant 576 : index
    %get3A_57 = vector.load %arg1[%get3A_55, %get3A_56] : memref<256x3200xbf16, #tpu.memory_space<vmem>>, vector<256x192xbf16>
    %dot_general3A_58 = arith.constant dense<0.000000e+00> : vector<256x256xf32>
    %dot_general3A_59 = tpu.matmul %get3A_57, %get3A_1, %dot_general3A_58 {dimension_numbers = #tpu.dot_dimension_numbers<[1], [0], [0], [1], [0, 0, 1, 1], [], []>, transpose_lhs_hint = false} : vector<256x192xbf16>, vector<192x256xbf16>, vector<256x256xf32> -> vector<256x256xf32>
    %max3A_60 = arith.maximumf %max3A_54, %dot_general3A_59 : vector<256x256xf32>
    %get3A_61 = arith.constant 0 : index
    %get3A_62 = arith.constant 640 : index
    %get3A_63 = vector.load %arg1[%get3A_61, %get3A_62] : memref<256x3200xbf16, #tpu.memory_space<vmem>>, vector<256x192xbf16>
    %dot_general3A_64 = arith.constant dense<0.000000e+00> : vector<256x256xf32>
    %dot_general3A_65 = tpu.matmul %get3A_63, %get3A_1, %dot_general3A_64 {dimension_numbers = #tpu.dot_dimension_numbers<[1], [0], [0], [1], [0, 0, 1, 1], [], []>, transpose_lhs_hint = false} : vector<256x192xbf16>, vector<192x256xbf16>, vector<256x256xf32> -> vector<256x256xf32>
    %max3A_66 = arith.maximumf %max3A_60, %dot_general3A_65 : vector<256x256xf32>
    %get3A_67 = arith.constant 0 : index
    %get3A_68 = arith.constant 704 : index
    %get3A_69 = vector.load %arg1[%get3A_67, %get3A_68] : memref<256x3200xbf16, #tpu.memory_space<vmem>>, vector<256x192xbf16>
    %dot_general3A_70 = arith.constant dense<0.000000e+00> : vector<256x256xf32>
    %dot_general3A_71 = tpu.matmul %get3A_69, %get3A_1, %dot_general3A_70 {dimension_numbers = #tpu.dot_dimension_numbers<[1], [0], [0], [1], [0, 0, 1, 1], [], []>, transpose_lhs_hint = false} : vector<256x192xbf16>, vector<192x256xbf16>, vector<256x256xf32> -> vector<256x256xf32>
    %max3A_72 = arith.maximumf %max3A_66, %dot_general3A_71 : vector<256x256xf32>
    %get3A_73 = arith.constant 0 : index
    %get3A_74 = arith.constant 768 : index
    %get3A_75 = vector.load %arg1[%get3A_73, %get3A_74] : memref<256x3200xbf16, #tpu.memory_space<vmem>>, vector<256x192xbf16>
    %dot_general3A_76 = arith.constant dense<0.000000e+00> : vector<256x256xf32>
    %dot_general3A_77 = tpu.matmul %get3A_75, %get3A_1, %dot_general3A_76 {dimension_numbers = #tpu.dot_dimension_numbers<[1], [0], [0], [1], [0, 0, 1, 1], [], []>, transpose_lhs_hint = false} : vector<256x192xbf16>, vector<192x256xbf16>, vector<256x256xf32> -> vector<256x256xf32>
    %max3A_78 = arith.maximumf %max3A_72, %dot_general3A_77 : vector<256x256xf32>
    %get3A_79 = arith.constant 0 : index
    %get3A_80 = arith.constant 832 : index
    %get3A_81 = vector.load %arg1[%get3A_79, %get3A_80] : memref<256x3200xbf16, #tpu.memory_space<vmem>>, vector<256x192xbf16>
    %dot_general3A_82 = arith.constant dense<0.000000e+00> : vector<256x256xf32>
    %dot_general3A_83 = tpu.matmul %get3A_81, %get3A_1, %dot_general3A_82 {dimension_numbers = #tpu.dot_dimension_numbers<[1], [0], [0], [1], [0, 0, 1, 1], [], []>, transpose_lhs_hint = false} : vector<256x192xbf16>, vector<192x256xbf16>, vector<256x256xf32> -> vector<256x256xf32>
    %max3A_84 = arith.maximumf %max3A_78, %dot_general3A_83 : vector<256x256xf32>
    %get3A_85 = arith.constant 0 : index
    %get3A_86 = arith.constant 896 : index
    %get3A_87 = vector.load %arg1[%get3A_85, %get3A_86] : memref<256x3200xbf16, #tpu.memory_space<vmem>>, vector<256x192xbf16>
    %dot_general3A_88 = arith.constant dense<0.000000e+00> : vector<256x256xf32>
    %dot_general3A_89 = tpu.matmul %get3A_87, %get3A_1, %dot_general3A_88 {dimension_numbers = #tpu.dot_dimension_numbers<[1], [0], [0], [1], [0, 0, 1, 1], [], []>, transpose_lhs_hint = false} : vector<256x192xbf16>, vector<192x256xbf16>, vector<256x256xf32> -> vector<256x256xf32>
    %max3A_90 = arith.maximumf %max3A_84, %dot_general3A_89 : vector<256x256xf32>
    %get3A_91 = arith.constant 0 : index
    %get3A_92 = arith.constant 960 : index
    %get3A_93 = vector.load %arg1[%get3A_91, %get3A_92] : memref<256x3200xbf16, #tpu.memory_space<vmem>>, vector<256x192xbf16>
    %dot_general3A_94 = arith.constant dense<0.000000e+00> : vector<256x256xf32>
    %dot_general3A_95 = tpu.matmul %get3A_93, %get3A_1, %dot_general3A_94 {dimension_numbers = #tpu.dot_dimension_numbers<[1], [0], [0], [1], [0, 0, 1, 1], [], []>, transpose_lhs_hint = false} : vector<256x192xbf16>, vector<192x256xbf16>, vector<256x256xf32> -> vector<256x256xf32>
    %max3A_96 = arith.maximumf %max3A_90, %dot_general3A_95 : vector<256x256xf32>
    %get3A_97 = arith.constant 0 : index
    %get3A_98 = arith.constant 1024 : index
    %get3A_99 = vector.load %arg1[%get3A_97, %get3A_98] : memref<256x3200xbf16, #tpu.memory_space<vmem>>, vector<256x192xbf16>
    %dot_general3A_100 = arith.constant dense<0.000000e+00> : vector<256x256xf32>
    %dot_general3A_101 = tpu.matmul %get3A_99, %get3A_1, %dot_general3A_100 {dimension_numbers = #tpu.dot_dimension_numbers<[1], [0], [0], [1], [0, 0, 1, 1], [], []>, transpose_lhs_hint = false} : vector<256x192xbf16>, vector<192x256xbf16>, vector<256x256xf32> -> vector<256x256xf32>
    %max3A_102 = arith.maximumf %max3A_96, %dot_general3A_101 : vector<256x256xf32>
    %get3A_103 = arith.constant 0 : index
    %get3A_104 = arith.constant 1088 : index
    %get3A_105 = vector.load %arg1[%get3A_103, %get3A_104] : memref<256x3200xbf16, #tpu.memory_space<vmem>>, vector<256x192xbf16>
    %dot_general3A_106 = arith.constant dense<0.000000e+00> : vector<256x256xf32>
    %dot_general3A_107 = tpu.matmul %get3A_105, %get3A_1, %dot_general3A_106 {dimension_numbers = #tpu.dot_dimension_numbers<[1], [0], [0], [1], [0, 0, 1, 1], [], []>, transpose_lhs_hint = false} : vector<256x192xbf16>, vector<192x256xbf16>, vector<256x256xf32> -> vector<256x256xf32>
    %max3A_108 = arith.maximumf %max3A_102, %dot_general3A_107 : vector<256x256xf32>
    %get3A_109 = arith.constant 0 : index
    %get3A_110 = arith.constant 1152 : index
    %get3A_111 = vector.load %arg1[%get3A_109, %get3A_110] : memref<256x3200xbf16, #tpu.memory_space<vmem>>, vector<256x192xbf16>
    %dot_general3A_112 = arith.constant dense<0.000000e+00> : vector<256x256xf32>
    %dot_general3A_113 = tpu.matmul %get3A_111, %get3A_1, %dot_general3A_112 {dimension_numbers = #tpu.dot_dimension_numbers<[1], [0], [0], [1], [0, 0, 1, 1], [], []>, transpose_lhs_hint = false} : vector<256x192xbf16>, vector<192x256xbf16>, vector<256x256xf32> -> vector<256x256xf32>
    %max3A_114 = arith.maximumf %max3A_108, %dot_general3A_113 : vector<256x256xf32>
    %get3A_115 = arith.constant 0 : index
    %get3A_116 = arith.constant 1216 : index
    %get3A_117 = vector.load %arg1[%get3A_115, %get3A_116] : memref<256x3200xbf16, #tpu.memory_space<vmem>>, vector<256x192xbf16>
    %dot_general3A_118 = arith.constant dense<0.000000e+00> : vector<256x256xf32>
    %dot_general3A_119 = tpu.matmul %get3A_117, %get3A_1, %dot_general3A_118 {dimension_numbers = #tpu.dot_dimension_numbers<[1], [0], [0], [1], [0, 0, 1, 1], [], []>, transpose_lhs_hint = false} : vector<256x192xbf16>, vector<192x256xbf16>, vector<256x256xf32> -> vector<256x256xf32>
    %max3A_120 = arith.maximumf %max3A_114, %dot_general3A_119 : vector<256x256xf32>
    %get3A_121 = arith.constant 0 : index
    %get3A_122 = arith.constant 1280 : index
    %get3A_123 = vector.load %arg1[%get3A_121, %get3A_122] : memref<256x3200xbf16, #tpu.memory_space<vmem>>, vector<256x192xbf16>
    %dot_general3A_124 = arith.constant dense<0.000000e+00> : vector<256x256xf32>
    %dot_general3A_125 = tpu.matmul %get3A_123, %get3A_1, %dot_general3A_124 {dimension_numbers = #tpu.dot_dimension_numbers<[1], [0], [0], [1], [0, 0, 1, 1], [], []>, transpose_lhs_hint = false} : vector<256x192xbf16>, vector<192x256xbf16>, vector<256x256xf32> -> vector<256x256xf32>
    %max3A_126 = arith.maximumf %max3A_120, %dot_general3A_125 : vector<256x256xf32>
    %get3A_127 = arith.constant 0 : index
    %get3A_128 = arith.constant 1344 : index
    %get3A_129 = vector.load %arg1[%get3A_127, %get3A_128] : memref<256x3200xbf16, #tpu.memory_space<vmem>>, vector<256x192xbf16>
    %dot_general3A_130 = arith.constant dense<0.000000e+00> : vector<256x256xf32>
    %dot_general3A_131 = tpu.matmul %get3A_129, %get3A_1, %dot_general3A_130 {dimension_numbers = #tpu.dot_dimension_numbers<[1], [0], [0], [1], [0, 0, 1, 1], [], []>, transpose_lhs_hint = false} : vector<256x192xbf16>, vector<192x256xbf16>, vector<256x256xf32> -> vector<256x256xf32>
    %max3A_132 = arith.maximumf %max3A_126, %dot_general3A_131 : vector<256x256xf32>
    %get3A_133 = arith.constant 0 : index
    %get3A_134 = arith.constant 1408 : index
    %get3A_135 = vector.load %arg1[%get3A_133, %get3A_134] : memref<256x3200xbf16, #tpu.memory_space<vmem>>, vector<256x192xbf16>
    %dot_general3A_136 = arith.constant dense<0.000000e+00> : vector<256x256xf32>
    %dot_general3A_137 = tpu.matmul %get3A_135, %get3A_1, %dot_general3A_136 {dimension_numbers = #tpu.dot_dimension_numbers<[1], [0], [0], [1], [0, 0, 1, 1], [], []>, transpose_lhs_hint = false} : vector<256x192xbf16>, vector<192x256xbf16>, vector<256x256xf32> -> vector<256x256xf32>
    %max3A_138 = arith.maximumf %max3A_132, %dot_general3A_137 : vector<256x256xf32>
    %get3A_139 = arith.constant 0 : index
    %get3A_140 = arith.constant 1472 : index
    %get3A_141 = vector.load %arg1[%get3A_139, %get3A_140] : memref<256x3200xbf16, #tpu.memory_space<vmem>>, vector<256x192xbf16>
    %dot_general3A_142 = arith.constant dense<0.000000e+00> : vector<256x256xf32>
    %dot_general3A_143 = tpu.matmul %get3A_141, %get3A_1, %dot_general3A_142 {dimension_numbers = #tpu.dot_dimension_numbers<[1], [0], [0], [1], [0, 0, 1, 1], [], []>, transpose_lhs_hint = false} : vector<256x192xbf16>, vector<192x256xbf16>, vector<256x256xf32> -> vector<256x256xf32>
    %max3A_144 = arith.maximumf %max3A_138, %dot_general3A_143 : vector<256x256xf32>
    %get3A_145 = arith.constant 0 : index
    %get3A_146 = arith.constant 1536 : index
    %get3A_147 = vector.load %arg1[%get3A_145, %get3A_146] : memref<256x3200xbf16, #tpu.memory_space<vmem>>, vector<256x192xbf16>
    %dot_general3A_148 = arith.constant dense<0.000000e+00> : vector<256x256xf32>
    %dot_general3A_149 = tpu.matmul %get3A_147, %get3A_1, %dot_general3A_148 {dimension_numbers = #tpu.dot_dimension_numbers<[1], [0], [0], [1], [0, 0, 1, 1], [], []>, transpose_lhs_hint = false} : vector<256x192xbf16>, vector<192x256xbf16>, vector<256x256xf32> -> vector<256x256xf32>
    %max3A_150 = arith.maximumf %max3A_144, %dot_general3A_149 : vector<256x256xf32>
    %get3A_151 = arith.constant 0 : index
    %get3A_152 = arith.constant 1600 : index
    %get3A_153 = vector.load %arg1[%get3A_151, %get3A_152] : memref<256x3200xbf16, #tpu.memory_space<vmem>>, vector<256x192xbf16>
    %dot_general3A_154 = arith.constant dense<0.000000e+00> : vector<256x256xf32>
    %dot_general3A_155 = tpu.matmul %get3A_153, %get3A_1, %dot_general3A_154 {dimension_numbers = #tpu.dot_dimension_numbers<[1], [0], [0], [1], [0, 0, 1, 1], [], []>, transpose_lhs_hint = false} : vector<256x192xbf16>, vector<192x256xbf16>, vector<256x256xf32> -> vector<256x256xf32>
    %max3A_156 = arith.maximumf %max3A_150, %dot_general3A_155 : vector<256x256xf32>
    %get3A_157 = arith.constant 0 : index
    %get3A_158 = arith.constant 1664 : index
    %get3A_159 = vector.load %arg1[%get3A_157, %get3A_158] : memref<256x3200xbf16, #tpu.memory_space<vmem>>, vector<256x192xbf16>
    %dot_general3A_160 = arith.constant dense<0.000000e+00> : vector<256x256xf32>
    %dot_general3A_161 = tpu.matmul %get3A_159, %get3A_1, %dot_general3A_160 {dimension_numbers = #tpu.dot_dimension_numbers<[1], [0], [0], [1], [0, 0, 1, 1], [], []>, transpose_lhs_hint = false} : vector<256x192xbf16>, vector<192x256xbf16>, vector<256x256xf32> -> vector<256x256xf32>
    %max3A_162 = arith.maximumf %max3A_156, %dot_general3A_161 : vector<256x256xf32>
    %get3A_163 = arith.constant 0 : index
    %get3A_164 = arith.constant 1728 : index
    %get3A_165 = vector.load %arg1[%get3A_163, %get3A_164] : memref<256x3200xbf16, #tpu.memory_space<vmem>>, vector<256x192xbf16>
    %dot_general3A_166 = arith.constant dense<0.000000e+00> : vector<256x256xf32>
    %dot_general3A_167 = tpu.matmul %get3A_165, %get3A_1, %dot_general3A_166 {dimension_numbers = #tpu.dot_dimension_numbers<[1], [0], [0], [1], [0, 0, 1, 1], [], []>, transpose_lhs_hint = false} : vector<256x192xbf16>, vector<192x256xbf16>, vector<256x256xf32> -> vector<256x256xf32>
    %max3A_168 = arith.maximumf %max3A_162, %dot_general3A_167 : vector<256x256xf32>
    %get3A_169 = arith.constant 0 : index
    %get3A_170 = arith.constant 1792 : index
    %get3A_171 = vector.load %arg1[%get3A_169, %get3A_170] : memref<256x3200xbf16, #tpu.memory_space<vmem>>, vector<256x192xbf16>
    %dot_general3A_172 = arith.constant dense<0.000000e+00> : vector<256x256xf32>
    %dot_general3A_173 = tpu.matmul %get3A_171, %get3A_1, %dot_general3A_172 {dimension_numbers = #tpu.dot_dimension_numbers<[1], [0], [0], [1], [0, 0, 1, 1], [], []>, transpose_lhs_hint = false} : vector<256x192xbf16>, vector<192x256xbf16>, vector<256x256xf32> -> vector<256x256xf32>
    %max3A_174 = arith.maximumf %max3A_168, %dot_general3A_173 : vector<256x256xf32>
    %get3A_175 = arith.constant 0 : index
    %get3A_176 = arith.constant 1856 : index
    %get3A_177 = vector.load %arg1[%get3A_175, %get3A_176] : memref<256x3200xbf16, #tpu.memory_space<vmem>>, vector<256x192xbf16>
    %dot_general3A_178 = arith.constant dense<0.000000e+00> : vector<256x256xf32>
    %dot_general3A_179 = tpu.matmul %get3A_177, %get3A_1, %dot_general3A_178 {dimension_numbers = #tpu.dot_dimension_numbers<[1], [0], [0], [1], [0, 0, 1, 1], [], []>, transpose_lhs_hint = false} : vector<256x192xbf16>, vector<192x256xbf16>, vector<256x256xf32> -> vector<256x256xf32>
    %max3A_180 = arith.maximumf %max3A_174, %dot_general3A_179 : vector<256x256xf32>
    %get3A_181 = arith.constant 0 : index
    %get3A_182 = arith.constant 1920 : index
    %get3A_183 = vector.load %arg1[%get3A_181, %get3A_182] : memref<256x3200xbf16, #tpu.memory_space<vmem>>, vector<256x192xbf16>
    %dot_general3A_184 = arith.constant dense<0.000000e+00> : vector<256x256xf32>
    %dot_general3A_185 = tpu.matmul %get3A_183, %get3A_1, %dot_general3A_184 {dimension_numbers = #tpu.dot_dimension_numbers<[1], [0], [0], [1], [0, 0, 1, 1], [], []>, transpose_lhs_hint = false} : vector<256x192xbf16>, vector<192x256xbf16>, vector<256x256xf32> -> vector<256x256xf32>
    %max3A_186 = arith.maximumf %max3A_180, %dot_general3A_185 : vector<256x256xf32>
    %get3A_187 = arith.constant 0 : index
    %get3A_188 = arith.constant 1984 : index
    %get3A_189 = vector.load %arg1[%get3A_187, %get3A_188] : memref<256x3200xbf16, #tpu.memory_space<vmem>>, vector<256x192xbf16>
    %dot_general3A_190 = arith.constant dense<0.000000e+00> : vector<256x256xf32>
    %dot_general3A_191 = tpu.matmul %get3A_189, %get3A_1, %dot_general3A_190 {dimension_numbers = #tpu.dot_dimension_numbers<[1], [0], [0], [1], [0, 0, 1, 1], [], []>, transpose_lhs_hint = false} : vector<256x192xbf16>, vector<192x256xbf16>, vector<256x256xf32> -> vector<256x256xf32>
    %max3A_192 = arith.maximumf %max3A_186, %dot_general3A_191 : vector<256x256xf32>
    %get3A_193 = arith.constant 0 : index
    %get3A_194 = arith.constant 2048 : index
    %get3A_195 = vector.load %arg1[%get3A_193, %get3A_194] : memref<256x3200xbf16, #tpu.memory_space<vmem>>, vector<256x192xbf16>
    %dot_general3A_196 = arith.constant dense<0.000000e+00> : vector<256x256xf32>
    %dot_general3A_197 = tpu.matmul %get3A_195, %get3A_1, %dot_general3A_196 {dimension_numbers = #tpu.dot_dimension_numbers<[1], [0], [0], [1], [0, 0, 1, 1], [], []>, transpose_lhs_hint = false} : vector<256x192xbf16>, vector<192x256xbf16>, vector<256x256xf32> -> vector<256x256xf32>
    %max3A_198 = arith.maximumf %max3A_192, %dot_general3A_197 : vector<256x256xf32>
    %get3A_199 = arith.constant 0 : index
    %get3A_200 = arith.constant 2112 : index
    %get3A_201 = vector.load %arg1[%get3A_199, %get3A_200] : memref<256x3200xbf16, #tpu.memory_space<vmem>>, vector<256x192xbf16>
    %dot_general3A_202 = arith.constant dense<0.000000e+00> : vector<256x256xf32>
    %dot_general3A_203 = tpu.matmul %get3A_201, %get3A_1, %dot_general3A_202 {dimension_numbers = #tpu.dot_dimension_numbers<[1], [0], [0], [1], [0, 0, 1, 1], [], []>, transpose_lhs_hint = false} : vector<256x192xbf16>, vector<192x256xbf16>, vector<256x256xf32> -> vector<256x256xf32>
    %max3A_204 = arith.maximumf %max3A_198, %dot_general3A_203 : vector<256x256xf32>
    %get3A_205 = arith.constant 0 : index
    %get3A_206 = arith.constant 2176 : index
    %get3A_207 = vector.load %arg1[%get3A_205, %get3A_206] : memref<256x3200xbf16, #tpu.memory_space<vmem>>, vector<256x192xbf16>
    %dot_general3A_208 = arith.constant dense<0.000000e+00> : vector<256x256xf32>
    %dot_general3A_209 = tpu.matmul %get3A_207, %get3A_1, %dot_general3A_208 {dimension_numbers = #tpu.dot_dimension_numbers<[1], [0], [0], [1], [0, 0, 1, 1], [], []>, transpose_lhs_hint = false} : vector<256x192xbf16>, vector<192x256xbf16>, vector<256x256xf32> -> vector<256x256xf32>
    %max3A_210 = arith.maximumf %max3A_204, %dot_general3A_209 : vector<256x256xf32>
    %get3A_211 = arith.constant 0 : index
    %get3A_212 = arith.constant 2240 : index
    %get3A_213 = vector.load %arg1[%get3A_211, %get3A_212] : memref<256x3200xbf16, #tpu.memory_space<vmem>>, vector<256x192xbf16>
    %dot_general3A_214 = arith.constant dense<0.000000e+00> : vector<256x256xf32>
    %dot_general3A_215 = tpu.matmul %get3A_213, %get3A_1, %dot_general3A_214 {dimension_numbers = #tpu.dot_dimension_numbers<[1], [0], [0], [1], [0, 0, 1, 1], [], []>, transpose_lhs_hint = false} : vector<256x192xbf16>, vector<192x256xbf16>, vector<256x256xf32> -> vector<256x256xf32>
    %max3A_216 = arith.maximumf %max3A_210, %dot_general3A_215 : vector<256x256xf32>
    %get3A_217 = arith.constant 0 : index
    %get3A_218 = arith.constant 2304 : index
    %get3A_219 = vector.load %arg1[%get3A_217, %get3A_218] : memref<256x3200xbf16, #tpu.memory_space<vmem>>, vector<256x192xbf16>
    %dot_general3A_220 = arith.constant dense<0.000000e+00> : vector<256x256xf32>
    %dot_general3A_221 = tpu.matmul %get3A_219, %get3A_1, %dot_general3A_220 {dimension_numbers = #tpu.dot_dimension_numbers<[1], [0], [0], [1], [0, 0, 1, 1], [], []>, transpose_lhs_hint = false} : vector<256x192xbf16>, vector<192x256xbf16>, vector<256x256xf32> -> vector<256x256xf32>
    %max3A_222 = arith.maximumf %max3A_216, %dot_general3A_221 : vector<256x256xf32>
    %get3A_223 = arith.constant 0 : index
    %get3A_224 = arith.constant 2368 : index
    %get3A_225 = vector.load %arg1[%get3A_223, %get3A_224] : memref<256x3200xbf16, #tpu.memory_space<vmem>>, vector<256x192xbf16>
    %dot_general3A_226 = arith.constant dense<0.000000e+00> : vector<256x256xf32>
    %dot_general3A_227 = tpu.matmul %get3A_225, %get3A_1, %dot_general3A_226 {dimension_numbers = #tpu.dot_dimension_numbers<[1], [0], [0], [1], [0, 0, 1, 1], [], []>, transpose_lhs_hint = false} : vector<256x192xbf16>, vector<192x256xbf16>, vector<256x256xf32> -> vector<256x256xf32>
    %max3A_228 = arith.maximumf %max3A_222, %dot_general3A_227 : vector<256x256xf32>
    %get3A_229 = arith.constant 0 : index
    %get3A_230 = arith.constant 2432 : index
    %get3A_231 = vector.load %arg1[%get3A_229, %get3A_230] : memref<256x3200xbf16, #tpu.memory_space<vmem>>, vector<256x192xbf16>
    %dot_general3A_232 = arith.constant dense<0.000000e+00> : vector<256x256xf32>
    %dot_general3A_233 = tpu.matmul %get3A_231, %get3A_1, %dot_general3A_232 {dimension_numbers = #tpu.dot_dimension_numbers<[1], [0], [0], [1], [0, 0, 1, 1], [], []>, transpose_lhs_hint = false} : vector<256x192xbf16>, vector<192x256xbf16>, vector<256x256xf32> -> vector<256x256xf32>
    %max3A_234 = arith.maximumf %max3A_228, %dot_general3A_233 : vector<256x256xf32>
    %get3A_235 = arith.constant 0 : index
    %get3A_236 = arith.constant 2496 : index
    %get3A_237 = vector.load %arg1[%get3A_235, %get3A_236] : memref<256x3200xbf16, #tpu.memory_space<vmem>>, vector<256x192xbf16>
    %dot_general3A_238 = arith.constant dense<0.000000e+00> : vector<256x256xf32>
    %dot_general3A_239 = tpu.matmul %get3A_237, %get3A_1, %dot_general3A_238 {dimension_numbers = #tpu.dot_dimension_numbers<[1], [0], [0], [1], [0, 0, 1, 1], [], []>, transpose_lhs_hint = false} : vector<256x192xbf16>, vector<192x256xbf16>, vector<256x256xf32> -> vector<256x256xf32>
    %max3A_240 = arith.maximumf %max3A_234, %dot_general3A_239 : vector<256x256xf32>
    %get3A_241 = arith.constant 0 : index
    %get3A_242 = arith.constant 2560 : index
    %get3A_243 = vector.load %arg1[%get3A_241, %get3A_242] : memref<256x3200xbf16, #tpu.memory_space<vmem>>, vector<256x192xbf16>
    %dot_general3A_244 = arith.constant dense<0.000000e+00> : vector<256x256xf32>
    %dot_general3A_245 = tpu.matmul %get3A_243, %get3A_1, %dot_general3A_244 {dimension_numbers = #tpu.dot_dimension_numbers<[1], [0], [0], [1], [0, 0, 1, 1], [], []>, transpose_lhs_hint = false} : vector<256x192xbf16>, vector<192x256xbf16>, vector<256x256xf32> -> vector<256x256xf32>
    %max3A_246 = arith.maximumf %max3A_240, %dot_general3A_245 : vector<256x256xf32>
    %get3A_247 = arith.constant 0 : index
    %get3A_248 = arith.constant 2624 : index
    %get3A_249 = vector.load %arg1[%get3A_247, %get3A_248] : memref<256x3200xbf16, #tpu.memory_space<vmem>>, vector<256x192xbf16>
    %dot_general3A_250 = arith.constant dense<0.000000e+00> : vector<256x256xf32>
    %dot_general3A_251 = tpu.matmul %get3A_249, %get3A_1, %dot_general3A_250 {dimension_numbers = #tpu.dot_dimension_numbers<[1], [0], [0], [1], [0, 0, 1, 1], [], []>, transpose_lhs_hint = false} : vector<256x192xbf16>, vector<192x256xbf16>, vector<256x256xf32> -> vector<256x256xf32>
    %max3A_252 = arith.maximumf %max3A_246, %dot_general3A_251 : vector<256x256xf32>
    %get3A_253 = arith.constant 0 : index
    %get3A_254 = arith.constant 2688 : index
    %get3A_255 = vector.load %arg1[%get3A_253, %get3A_254] : memref<256x3200xbf16, #tpu.memory_space<vmem>>, vector<256x192xbf16>
    %dot_general3A_256 = arith.constant dense<0.000000e+00> : vector<256x256xf32>
    %dot_general3A_257 = tpu.matmul %get3A_255, %get3A_1, %dot_general3A_256 {dimension_numbers = #tpu.dot_dimension_numbers<[1], [0], [0], [1], [0, 0, 1, 1], [], []>, transpose_lhs_hint = false} : vector<256x192xbf16>, vector<192x256xbf16>, vector<256x256xf32> -> vector<256x256xf32>
    %max3A_258 = arith.maximumf %max3A_252, %dot_general3A_257 : vector<256x256xf32>
    %get3A_259 = arith.constant 0 : index
    %get3A_260 = arith.constant 2752 : index
    %get3A_261 = vector.load %arg1[%get3A_259, %get3A_260] : memref<256x3200xbf16, #tpu.memory_space<vmem>>, vector<256x192xbf16>
    %dot_general3A_262 = arith.constant dense<0.000000e+00> : vector<256x256xf32>
    %dot_general3A_263 = tpu.matmul %get3A_261, %get3A_1, %dot_general3A_262 {dimension_numbers = #tpu.dot_dimension_numbers<[1], [0], [0], [1], [0, 0, 1, 1], [], []>, transpose_lhs_hint = false} : vector<256x192xbf16>, vector<192x256xbf16>, vector<256x256xf32> -> vector<256x256xf32>
    %max3A_264 = arith.maximumf %max3A_258, %dot_general3A_263 : vector<256x256xf32>
    %get3A_265 = arith.constant 0 : index
    %get3A_266 = arith.constant 2816 : index
    %get3A_267 = vector.load %arg1[%get3A_265, %get3A_266] : memref<256x3200xbf16, #tpu.memory_space<vmem>>, vector<256x192xbf16>
    %dot_general3A_268 = arith.constant dense<0.000000e+00> : vector<256x256xf32>
    %dot_general3A_269 = tpu.matmul %get3A_267, %get3A_1, %dot_general3A_268 {dimension_numbers = #tpu.dot_dimension_numbers<[1], [0], [0], [1], [0, 0, 1, 1], [], []>, transpose_lhs_hint = false} : vector<256x192xbf16>, vector<192x256xbf16>, vector<256x256xf32> -> vector<256x256xf32>
    %max3A_270 = arith.maximumf %max3A_264, %dot_general3A_269 : vector<256x256xf32>
    %get3A_271 = arith.constant 0 : index
    %get3A_272 = arith.constant 2880 : index
    %get3A_273 = vector.load %arg1[%get3A_271, %get3A_272] : memref<256x3200xbf16, #tpu.memory_space<vmem>>, vector<256x192xbf16>
    %dot_general3A_274 = arith.constant dense<0.000000e+00> : vector<256x256xf32>
    %dot_general3A_275 = tpu.matmul %get3A_273, %get3A_1, %dot_general3A_274 {dimension_numbers = #tpu.dot_dimension_numbers<[1], [0], [0], [1], [0, 0, 1, 1], [], []>, transpose_lhs_hint = false} : vector<256x192xbf16>, vector<192x256xbf16>, vector<256x256xf32> -> vector<256x256xf32>
    %max3A_276 = arith.maximumf %max3A_270, %dot_general3A_275 : vector<256x256xf32>
    %get3A_277 = arith.constant 0 : index
    %get3A_278 = arith.constant 2944 : index
    %get3A_279 = vector.load %arg1[%get3A_277, %get3A_278] : memref<256x3200xbf16, #tpu.memory_space<vmem>>, vector<256x192xbf16>
    %dot_general3A_280 = arith.constant dense<0.000000e+00> : vector<256x256xf32>
    %dot_general3A_281 = tpu.matmul %get3A_279, %get3A_1, %dot_general3A_280 {dimension_numbers = #tpu.dot_dimension_numbers<[1], [0], [0], [1], [0, 0, 1, 1], [], []>, transpose_lhs_hint = false} : vector<256x192xbf16>, vector<192x256xbf16>, vector<256x256xf32> -> vector<256x256xf32>
    %max3A_282 = arith.maximumf %max3A_276, %dot_general3A_281 : vector<256x256xf32>
    %get3A_283 = arith.constant 0 : index
    %get3A_284 = arith.constant 3008 : index
    %get3A_285 = vector.load %arg1[%get3A_283, %get3A_284] : memref<256x3200xbf16, #tpu.memory_space<vmem>>, vector<256x192xbf16>
    %dot_general3A_286 = arith.constant dense<0.000000e+00> : vector<256x256xf32>
    %dot_general3A_287 = tpu.matmul %get3A_285, %get3A_1, %dot_general3A_286 {dimension_numbers = #tpu.dot_dimension_numbers<[1], [0], [0], [1], [0, 0, 1, 1], [], []>, transpose_lhs_hint = false} : vector<256x192xbf16>, vector<192x256xbf16>, vector<256x256xf32> -> vector<256x256xf32>
    %max3A_288 = arith.maximumf %max3A_282, %dot_general3A_287 : vector<256x256xf32>
    %get3A_289 = arith.constant 0 : index
    %get3A_290 = arith.constant 0 : index
    %get3A_291 = vector.load %arg3[%get3A_289, %get3A_290] : memref<1x256xf32, #tpu.memory_space<vmem>>, vector<1x256xf32>
    %add3A = vector.broadcast %get3A_291 : vector<1x256xf32> to vector<256x256xf32>
    %add3A_292 = arith.addf %max3A_288, %add3A : vector<256x256xf32>
    %max3A_293 = arith.constant 0.000000e+00 : f32
    %max3A_294 = vector.broadcast %max3A_293 : f32 to vector<256x256xf32>
    %max3A_295 = arith.maximumf %add3A_292, %max3A_294 : vector<256x256xf32>
    %swap3A = arith.constant 0 : index
    %swap3A_296 = arith.constant 0 : index
    %swap3A_297 = vector.load %arg4[%swap3A, %swap3A_296] : memref<256x256xf32, #tpu.memory_space<vmem>>, vector<256x256xf32>
    tpu.vector_store %arg4[%swap3A, %swap3A_296], %max3A_295 {strides = array<i32>} : memref<256x256xf32, #tpu.memory_space<vmem>>, vector<256x256xf32>,
    return
  }
  func.func @transform_0(%arg0: i32) -> (i32, i32) {
    %c0_i32 = arith.constant 0 : i32
    %c0_i32_0 = arith.constant 0 : i32
    return %arg0, %c0_i32 : i32, i32
  }
  func.func @transform_1(%arg0: i32) -> (i32, i32) {
    %c0_i32 = arith.constant 0 : i32
    %c0_i32_0 = arith.constant 0 : i32
    %c0_i32_1 = arith.constant 0 : i32
    return %c0_i32, %c0_i32_0 : i32, i32
  }
  func.func @transform_2(%arg0: i32) -> (i32, i32) {
    %c0_i32 = arith.constant 0 : i32
    %c0_i32_0 = arith.constant 0 : i32
    %c0_i32_1 = arith.constant 0 : i32
    return %c0_i32, %c0_i32_0 : i32, i32
  }
  func.func @transform_3(%arg0: i32) -> (i32, i32) {
    %c0_i32 = arith.constant 0 : i32
    %c0_i32_0 = arith.constant 0 : i32
    return %arg0, %c0_i32 : i32, i32
  }
}

module attributes {stable_mosaic.version = 14 : i64} {
  func.func @_topk_body(%arg0: memref<16x200xf32, #tpu.memory_space<vmem>>, %arg1: memref<16x200xf32, #tpu.memory_space<vmem>>) attributes {dimension_semantics = [], scalar_prefetch = 0 : i64, scratch_operands = 0 : i64, tpu.core_type = #tpu.core_type<tc>} {
    %get3A = arith.constant 0 : index
    %get3A_0 = arith.constant 0 : index
    %get3A_1 = vector.load %arg0[%get3A, %get3A_0] : memref<16x200xf32, #tpu.memory_space<vmem>>, vector<16x200xf32>
    %iota3A = tpu.iota {dimensions = array<i32: 1>} : vector<16x200xi32>
    %broadcast_in_dim3A = arith.constant 0.000000e+00 : f32
    %broadcast_in_dim3A_2 = vector.broadcast %broadcast_in_dim3A : f32 to vector<16x200xf32>
    %reduce_max3A = arith.constant dense<0xFF800000> : vector<16xf32>
    %reduce_max3A_3 = vector.multi_reduction <maximumf>, %get3A_1, %reduce_max3A [1] : vector<16x200xf32> to vector<16xf32>
    %broadcast_in_dim3A_4 = vector.shape_cast %reduce_max3A_3 : vector<16xf32> to vector<16x1xf32>
    %eq3A = vector.broadcast %broadcast_in_dim3A_4 : vector<16x1xf32> to vector<16x200xf32>
    %eq3A_5 = arith.cmpf oeq, %get3A_1, %eq3A : vector<16x200xf32>
    %jit3A = arith.constant 1073741824 : i32
    %broadcast_in_dim3A_6 = vector.broadcast %jit3A : i32 to vector<16x200xi32>
    %select_n3A = arith.select %eq3A_5, %iota3A, %broadcast_in_dim3A_6 : vector<16x200xi1>, vector<16x200xi32>
    %reduce_min3A = arith.constant dense<2147483647> : vector<16xi32>
    %reduce_min3A_7 = vector.multi_reduction <minsi>, %select_n3A, %reduce_min3A [1] : vector<16x200xi32> to vector<16xi32>
    %broadcast_in_dim3A_8 = vector.shape_cast %reduce_min3A_7 : vector<16xi32> to vector<16x1xi32>
    %eq3A_9 = vector.broadcast %broadcast_in_dim3A_8 : vector<16x1xi32> to vector<16x200xi32>
    %eq3A_10 = arith.cmpi eq, %iota3A, %eq3A_9 : vector<16x200xi32>
    %jit3A_11 = arith.constant 1.000000e+00 : f32
    %broadcast_in_dim3A_12 = vector.broadcast %jit3A_11 : f32 to vector<16x200xf32>
    %select_n3A_13 = arith.select %eq3A_10, %broadcast_in_dim3A_12, %broadcast_in_dim3A_2 : vector<16x200xi1>, vector<16x200xf32>
    %jit3A_14 = arith.constant 0xFF800000 : f32
    %broadcast_in_dim3A_15 = vector.broadcast %jit3A_14 : f32 to vector<16x200xf32>
    %select_n3A_16 = arith.select %eq3A_10, %broadcast_in_dim3A_15, %get3A_1 : vector<16x200xi1>, vector<16x200xf32>
    %reduce_max3A_17 = arith.constant dense<0xFF800000> : vector<16xf32>
    %reduce_max3A_18 = vector.multi_reduction <maximumf>, %select_n3A_16, %reduce_max3A_17 [1] : vector<16x200xf32> to vector<16xf32>
    %broadcast_in_dim3A_19 = vector.shape_cast %reduce_max3A_18 : vector<16xf32> to vector<16x1xf32>
    %eq3A_20 = vector.broadcast %broadcast_in_dim3A_19 : vector<16x1xf32> to vector<16x200xf32>
    %eq3A_21 = arith.cmpf oeq, %select_n3A_16, %eq3A_20 : vector<16x200xf32>
    %jit3A_22 = arith.constant 1073741824 : i32
    %broadcast_in_dim3A_23 = vector.broadcast %jit3A_22 : i32 to vector<16x200xi32>
    %select_n3A_24 = arith.select %eq3A_21, %iota3A, %broadcast_in_dim3A_23 : vector<16x200xi1>, vector<16x200xi32>
    %reduce_min3A_25 = arith.constant dense<2147483647> : vector<16xi32>
    %reduce_min3A_26 = vector.multi_reduction <minsi>, %select_n3A_24, %reduce_min3A_25 [1] : vector<16x200xi32> to vector<16xi32>
    %broadcast_in_dim3A_27 = vector.shape_cast %reduce_min3A_26 : vector<16xi32> to vector<16x1xi32>
    %eq3A_28 = vector.broadcast %broadcast_in_dim3A_27 : vector<16x1xi32> to vector<16x200xi32>
    %eq3A_29 = arith.cmpi eq, %iota3A, %eq3A_28 : vector<16x200xi32>
    %jit3A_30 = arith.constant 1.000000e+00 : f32
    %broadcast_in_dim3A_31 = vector.broadcast %jit3A_30 : f32 to vector<16x200xf32>
    %select_n3A_32 = arith.select %eq3A_29, %broadcast_in_dim3A_31, %select_n3A_13 : vector<16x200xi1>, vector<16x200xf32>
    %jit3A_33 = arith.constant 0xFF800000 : f32
    %broadcast_in_dim3A_34 = vector.broadcast %jit3A_33 : f32 to vector<16x200xf32>
    %select_n3A_35 = arith.select %eq3A_29, %broadcast_in_dim3A_34, %select_n3A_16 : vector<16x200xi1>, vector<16x200xf32>
    %reduce_max3A_36 = arith.constant dense<0xFF800000> : vector<16xf32>
    %reduce_max3A_37 = vector.multi_reduction <maximumf>, %select_n3A_35, %reduce_max3A_36 [1] : vector<16x200xf32> to vector<16xf32>
    %broadcast_in_dim3A_38 = vector.shape_cast %reduce_max3A_37 : vector<16xf32> to vector<16x1xf32>
    %eq3A_39 = vector.broadcast %broadcast_in_dim3A_38 : vector<16x1xf32> to vector<16x200xf32>
    %eq3A_40 = arith.cmpf oeq, %select_n3A_35, %eq3A_39 : vector<16x200xf32>
    %jit3A_41 = arith.constant 1073741824 : i32
    %broadcast_in_dim3A_42 = vector.broadcast %jit3A_41 : i32 to vector<16x200xi32>
    %select_n3A_43 = arith.select %eq3A_40, %iota3A, %broadcast_in_dim3A_42 : vector<16x200xi1>, vector<16x200xi32>
    %reduce_min3A_44 = arith.constant dense<2147483647> : vector<16xi32>
    %reduce_min3A_45 = vector.multi_reduction <minsi>, %select_n3A_43, %reduce_min3A_44 [1] : vector<16x200xi32> to vector<16xi32>
    %broadcast_in_dim3A_46 = vector.shape_cast %reduce_min3A_45 : vector<16xi32> to vector<16x1xi32>
    %eq3A_47 = vector.broadcast %broadcast_in_dim3A_46 : vector<16x1xi32> to vector<16x200xi32>
    %eq3A_48 = arith.cmpi eq, %iota3A, %eq3A_47 : vector<16x200xi32>
    %jit3A_49 = arith.constant 1.000000e+00 : f32
    %broadcast_in_dim3A_50 = vector.broadcast %jit3A_49 : f32 to vector<16x200xf32>
    %select_n3A_51 = arith.select %eq3A_48, %broadcast_in_dim3A_50, %select_n3A_32 : vector<16x200xi1>, vector<16x200xf32>
    %jit3A_52 = arith.constant 0xFF800000 : f32
    %broadcast_in_dim3A_53 = vector.broadcast %jit3A_52 : f32 to vector<16x200xf32>
    %select_n3A_54 = arith.select %eq3A_48, %broadcast_in_dim3A_53, %select_n3A_35 : vector<16x200xi1>, vector<16x200xf32>
    %reduce_max3A_55 = arith.constant dense<0xFF800000> : vector<16xf32>
    %reduce_max3A_56 = vector.multi_reduction <maximumf>, %select_n3A_54, %reduce_max3A_55 [1] : vector<16x200xf32> to vector<16xf32>
    %broadcast_in_dim3A_57 = vector.shape_cast %reduce_max3A_56 : vector<16xf32> to vector<16x1xf32>
    %eq3A_58 = vector.broadcast %broadcast_in_dim3A_57 : vector<16x1xf32> to vector<16x200xf32>
    %eq3A_59 = arith.cmpf oeq, %select_n3A_54, %eq3A_58 : vector<16x200xf32>
    %jit3A_60 = arith.constant 1073741824 : i32
    %broadcast_in_dim3A_61 = vector.broadcast %jit3A_60 : i32 to vector<16x200xi32>
    %select_n3A_62 = arith.select %eq3A_59, %iota3A, %broadcast_in_dim3A_61 : vector<16x200xi1>, vector<16x200xi32>
    %reduce_min3A_63 = arith.constant dense<2147483647> : vector<16xi32>
    %reduce_min3A_64 = vector.multi_reduction <minsi>, %select_n3A_62, %reduce_min3A_63 [1] : vector<16x200xi32> to vector<16xi32>
    %broadcast_in_dim3A_65 = vector.shape_cast %reduce_min3A_64 : vector<16xi32> to vector<16x1xi32>
    %eq3A_66 = vector.broadcast %broadcast_in_dim3A_65 : vector<16x1xi32> to vector<16x200xi32>
    %eq3A_67 = arith.cmpi eq, %iota3A, %eq3A_66 : vector<16x200xi32>
    %jit3A_68 = arith.constant 1.000000e+00 : f32
    %broadcast_in_dim3A_69 = vector.broadcast %jit3A_68 : f32 to vector<16x200xf32>
    %select_n3A_70 = arith.select %eq3A_67, %broadcast_in_dim3A_69, %select_n3A_51 : vector<16x200xi1>, vector<16x200xf32>
    %jit3A_71 = arith.constant 0xFF800000 : f32
    %broadcast_in_dim3A_72 = vector.broadcast %jit3A_71 : f32 to vector<16x200xf32>
    %select_n3A_73 = arith.select %eq3A_67, %broadcast_in_dim3A_72, %select_n3A_54 : vector<16x200xi1>, vector<16x200xf32>
    %reduce_max3A_74 = arith.constant dense<0xFF800000> : vector<16xf32>
    %reduce_max3A_75 = vector.multi_reduction <maximumf>, %select_n3A_73, %reduce_max3A_74 [1] : vector<16x200xf32> to vector<16xf32>
    %broadcast_in_dim3A_76 = vector.shape_cast %reduce_max3A_75 : vector<16xf32> to vector<16x1xf32>
    %eq3A_77 = vector.broadcast %broadcast_in_dim3A_76 : vector<16x1xf32> to vector<16x200xf32>
    %eq3A_78 = arith.cmpf oeq, %select_n3A_73, %eq3A_77 : vector<16x200xf32>
    %jit3A_79 = arith.constant 1073741824 : i32
    %broadcast_in_dim3A_80 = vector.broadcast %jit3A_79 : i32 to vector<16x200xi32>
    %select_n3A_81 = arith.select %eq3A_78, %iota3A, %broadcast_in_dim3A_80 : vector<16x200xi1>, vector<16x200xi32>
    %reduce_min3A_82 = arith.constant dense<2147483647> : vector<16xi32>
    %reduce_min3A_83 = vector.multi_reduction <minsi>, %select_n3A_81, %reduce_min3A_82 [1] : vector<16x200xi32> to vector<16xi32>
    %broadcast_in_dim3A_84 = vector.shape_cast %reduce_min3A_83 : vector<16xi32> to vector<16x1xi32>
    %eq3A_85 = vector.broadcast %broadcast_in_dim3A_84 : vector<16x1xi32> to vector<16x200xi32>
    %eq3A_86 = arith.cmpi eq, %iota3A, %eq3A_85 : vector<16x200xi32>
    %jit3A_87 = arith.constant 1.000000e+00 : f32
    %broadcast_in_dim3A_88 = vector.broadcast %jit3A_87 : f32 to vector<16x200xf32>
    %select_n3A_89 = arith.select %eq3A_86, %broadcast_in_dim3A_88, %select_n3A_70 : vector<16x200xi1>, vector<16x200xf32>
    %swap3A = arith.constant 0 : index
    %swap3A_90 = arith.constant 0 : index
    %swap3A_91 = vector.load %arg1[%swap3A, %swap3A_90] : memref<16x200xf32, #tpu.memory_space<vmem>>, vector<16x200xf32>
    tpu.vector_store %arg1[%swap3A, %swap3A_90], %select_n3A_89 {strides = array<i32>} : memref<16x200xf32, #tpu.memory_space<vmem>>, vector<16x200xf32>,
    return
  }
}

</mosaic_0001>

<sc_bundles>
// kernel: kernel.5.cloned.1.call-start
scs
__scs_entry_jumppad:
0x0: {  	(pc) =	sbr.rel $0x88, $3  }
0x1: {  	(tag) =	ssettag $0x0;
	lr =	simm.s32 $0x1  }
0x2: {  	[smem:$0x3F91] =	sst lr;
	_ =	strace $0xD0000000  }
0x3: {  	_ = 	snop  }
0x4: {  	_ = 	snop  }
0x5: {  	_ = 	snop  }
0x6: {  	_ = 	snop  }
0x7: {  	_ = 	snop  }
__scs_overlays_trampoline_lowered:
0x8: {  	[smem:$0x3FA0] =	sst s0  }
0x9: {  	[smem:$0x3FA1] =	sst s1  }
0xa: {  	[smem:$0x3FA2] =	sst s2  }
0xb: {  	[smem:$0x3FA3] =	sst s3  }
0xc: {  	[smem:$0x3FA4] =	sst s4  }
0xd: {  	[smem:$0x3FA5] =	sst s5  }
0xe: {  	[smem:$0x3FA6] =	sst s6  }
0xf: {  	[smem:$0x3FA7] =	sst s7  }
0x10: {  	[smem:$0x3FA8] =	sst s8  }
0x11: {  	[smem:$0x3FA9] =	sst s9;
	s0 =	simm.s32 @!p0 $0x0  }
0x12: {  	s1 =	sld [smem:$0x3F8F];
	s0 =	simm.s32 @p0 $0x1  }
0x13: {  	[smem:$0x3FAA] =	sst s0;
	s0 =	simm.s32 @!p1 $0x0  }
0x14: {  	s2 =	sld [smem:$0x3F8E];
	s0 =	simm.s32 @p1 $0x1  }
0x15: {  	[smem:$0x3FAB] =	sst s0;
	s0 =	simm.s32 @!p2 $0x0  }
0x16: {  	s3 =	sld [smem:$0x3FDB];
	s0 =	simm.s32 @p2 $0x1  }
0x17: {  	s4 =	simm.s32 $0x1BF5;
	[smem:$0x3FAD] =	sst s0  }
0x18: {  	s0 =	sld [smem:$0x3F90];
	_ =	swait.ge [sflag:s4], $0x0  }
0x19: {  	s7 =	sld [smem:$0x3F91]  }
0x1a: {  	s8 =	sadd.s32 $0xFFFFE003, lr  }
0x1b: {  	s9 =	sadd.s32 $0xFFFFFEF7, lr;
	s5 =	simm.s32 $0xFFFFFFFF;
	p2 =	slt.u32 s8, $0xFFFFF086  }
0x1c: {  	p1 =	slt.u32 s9, $0xF7A;
	s5 =	simm.s32 @!p2 $0x0  }
0x1d: {  	s5 =	simm.s32 @p1 $0x1;
	p0 =	seq.s32 s7, s2  }
0x1e: {  	s7 =	smul.u32 @!p0 $0xF7A, s2;
	p2 =	seq.s32 @!p0 s5, $0x0  }
0x1f: {  	s9 =	smul.u32 $0xF7A, s1;
	s8 =	simm.s32 @!p0 $0x1BF5;
	p2 =	por !p2, p0  }
0x20: {  	[sflag:s8] =	ssyncset.s32 @!p0 $0xFFFFF086;
	s6 =	sadd.s32 @!p0 s3, s7;
	s7 =	simm.s32 @!p0 $0x108  }
0x21: {  	s3 =	sadd.s32 s3, s9;
	s6 =	sadd.s32 @!p0 $0x88, s6;
	s7 =	simm.s32 @p2 $0x1082  }
0x22: {  	[simem:s7], [sflag:s8] =	dma.local @!p0 [hbm:s6], $0xF7A  }
0x23: {  	s9 =	sor.u32 $0xD0000000, s2;
	s6 =	simm.s32 $0x108;
	_ =	swait.ge @!p0 [sflag:s8], $0x0  }
0x24: {  	s3 =	sadd.s32 $0x88, s3;
	s6 =	simm.s32 @!p1 $0x1082;
	[sflag:s4] =	ssyncset.s32 $0xFFFFF086  }
0x25: {  	[simem:s6], [sflag:s4] =	dma.local [hbm:s3], $0xF7A  }
0x26: {  	[smem:$0x3F91] =	sst s1;
	(tag) =	ssettag s2;
	_ =	strace s9  }
0x27: {  	s1 =	sld [smem:$0x3FA1]  }
0x28: {  	s2 =	sld [smem:$0x3FA2]  }
0x29: {  	s4 =	sld [smem:$0x3FA4]  }
0x2a: {  	p0 =	seq.s32 s5, $0x0;
	s5 =	sld [smem:$0x3FA5]  }
0x2b: {  	s6 =	sld [smem:$0x3FA6]  }
0x2c: {  	s7 =	sld [smem:$0x3FA7]  }
0x2d: {  	s3 =	simm.s32 $0x108;
	s8 =	sld [smem:$0x3FA8]  }
0x2e: {  	s3 =	simm.s32 @!p0 $0x1082;
	s9 =	sld [smem:$0x3FA9]  }
0x2f: {  	lr =	sadd.s32 s0, s3;
	s0 =	sld [smem:$0x3FA0]  }
0x30: {  	s3 =	sld [smem:$0x3FA3]  }
0x31: {  	[smem:$0x3FAC] =	sst s10  }
0x32: {  	s10 =	sld [smem:$0x3FAA];
	_ =	sdelay $0x3  }
0x33: {  	p0 =	seq.s32 s10, $0x1;
	s10 =	sld [smem:$0x3FAC];
	_ =	sdelay $0x3  }
0x34: {  	[smem:$0x3FAC] =	sst s10  }
0x35: {  	s10 =	sld [smem:$0x3FAB];
	_ =	sdelay $0x3  }
0x36: {  	p1 =	seq.s32 s10, $0x1;
	s10 =	sld [smem:$0x3FAC];
	_ =	sdelay $0x3  }
0x37: {  	[smem:$0x3FAC] =	sst s10  }
0x38: {  	s10 =	sld [smem:$0x3FAD]  }
0x39: {  	_ = 	snop;
	(pc) =	sbr.ind lr, $3  }
0x3a: {  	_ = 	snop  }
0x3b: {  	_ = 	snop  }
0x3c: {  	p2 =	seq.s32 s10, $0x1;
	s10 =	sld [smem:$0x3FAC]  }
0x3d: {  	_ =	shalt  }
0x3e: {  	_ =	shalt  }
0x3f: {  	_ =	shalt  }
0x40: {  	_ =	shalt  }
0x41: {  	_ =	shalt  }
0x42: {  	_ =	shalt  }
0x43: {  	_ =	shalt  }
0x44: {  	_ =	shalt  }
0x45: {  	_ =	shalt  }
0x46: {  	_ =	shalt  }
0x47: {  	_ =	shalt  }
0x48: {  	_ =	shalt  }
0x49: {  	_ =	shalt  }
0x4a: {  	_ =	shalt  }
0x4b: {  	_ =	shalt  }
0x4c: {  	_ =	shalt  }
0x4d: {  	_ =	shalt  }
0x4e: {  	_ =	shalt  }
0x4f: {  	_ =	shalt  }
0x50: {  	_ =	shalt  }
0x51: {  	_ =	shalt  }
0x52: {  	_ =	shalt  }
0x53: {  	_ =	shalt  }
0x54: {  	_ =	shalt  }
0x55: {  	_ =	shalt  }
0x56: {  	_ =	shalt  }
0x57: {  	_ =	shalt  }
0x58: {  	_ =	shalt  }
0x59: {  	_ =	shalt  }
0x5a: {  	_ =	shalt  }
0x5b: {  	_ =	shalt  }
0x5c: {  	_ =	shalt  }
0x5d: {  	_ =	shalt  }
0x5e: {  	_ =	shalt  }
0x5f: {  	_ =	shalt  }
0x60: {  	_ =	shalt  }
0x61: {  	_ =	shalt  }
0x62: {  	_ =	shalt  }
0x63: {  	_ =	shalt  }
0x64: {  	_ =	shalt  }
0x65: {  	_ =	shalt  }
0x66: {  	_ =	shalt  }
0x67: {  	_ =	shalt  }
0x68: {  	_ =	shalt  }
0x69: {  	_ =	shalt  }
0x6a: {  	_ =	shalt  }
0x6b: {  	_ =	shalt  }
0x6c: {  	_ =	shalt  }
0x6d: {  	_ =	shalt  }
0x6e: {  	_ =	shalt  }
0x6f: {  	_ =	shalt  }
0x70: {  	_ =	shalt  }
0x71: {  	_ =	shalt  }
0x72: {  	_ =	shalt  }
0x73: {  	_ =	shalt  }
0x74: {  	_ =	shalt  }
0x75: {  	_ =	shalt  }
0x76: {  	_ =	shalt  }
0x77: {  	_ =	shalt  }
0x78: {  	_ =	shalt  }
0x79: {  	_ =	shalt  }
0x7a: {  	_ =	shalt  }
0x7b: {  	_ =	shalt  }
0x7c: {  	_ =	shalt  }
0x7d: {  	_ =	shalt  }
0x7e: {  	_ =	shalt  }
0x7f: {  	_ =	shalt  }
0x80: {  	_ =	shalt  }
0x81: {  	_ =	shalt  }
0x82: {  	_ =	shalt  }
0x83: {  	_ =	shalt  }
0x84: {  	_ =	shalt  }
0x85: {  	_ =	shalt  }
0x86: {  	_ =	shalt  }
0x87: {  	_ =	shalt  }
.Lfunc_end0:
.L_simem_size_0:
called_computation_lowered:
.L_overlay_start_0:
0x88: {  	s2 =	sld [smem:$0x3FD9]  }
0x89: {  	s3 =	sld [smem:$0x3FFE];
	_ =	sdelay $0x1  }
0x8a: {  	s1 =	srdreg.scid  }
0x8b: {  	s0 =	sand.u32 $0x1, s1  }
0x8c: {  	s16 =	sshll.u32 s0, $0xA;
	s2 =	sadd.s32 s3, s2  }
0x8d: {  	s2 =	sadd.s32 s2, s16  }
0x8e: {  	[smem:$0x3FB8] =	sst s2  }
0x8f: {  	_ = 	snop  }
0x90: {  	(tm) =	ssettm $0x1  }
0x91: {  	s17 =	sld [smem:$0x3FFB];
	_ =	sdelay $0x3  }
0x92: {  	_ =	strace s17  }
0x93: {  	s2 =	sld [smem:$0x3FFC];
	_ =	sdelay $0x3  }
0x94: {  	_ =	strace s2  }
0x95: {  	s2 =	sld [smem:$0x3FFD];
	_ =	sdelay $0x3  }
0x96: {  	_ =	strace s2  }
0x97: {  	_ =	strace $0x8FFFFFFF  }
0x98: {  	s18 =	sld [smem:$0x3FDB];
	_ =	sdelay $0x1  }
0x99: {  	s19 =	simm.s32 $_scs_section_size  }
0x9a: {  	s4 =	simm.s32 $_size__tile_overlayer_lowered;
	s5 =	simm.s32 $_tile_overlayer_lowered  }
0x9b: {  	s22 =	simm.s32 $0x1BFF;
	s21 =	sshll.u32 s5, $0x1;
	s2 =	sadd.s32 s19, s18  }
0x9c: {  	s6 =	simm.s32 $0x0;
	s20 =	sshll.u32 s4, $0x1;
	s4 =	sadd.s32 s21, s2  }
0x9d: {  	[timem:s6], [sflag:s22] =	dma.local [hbm:s4], s20  }
0x9e: {  	_ =	swait.ge [sflag:s22], s20  }
0x9f: {  	s3 =	ssub.s32 $0x0, s20;
	[sflag:s22] =	ssyncset.done $0x0  }
0xa0: {  	[sflag:s22] =	ssyncadd.s32 s3;
	_ =	sdelay $0x1  }
0xa1: {  	s23 =	simm.s32 $0x1B8B  }
0xa2: {  	_ =	swait.ge [sflag:s23], $0x1  }
0xa3: {  	[sflag:s23] =	ssyncset.done $0x0  }
0xa4: {  	s25 =	simm.s32 $0x1B8E;
	s24 =	sld [smem:$0x3FFE];
	[sflag:s23] =	ssyncadd.s32 $0xFFFFFFFF  }
0xa5: {  	s26 =	simm.s32 $execute0_lowered;
	[smem:$0x3FD2] =	sst s25  }
0xa6: {  	s4 =	sshll.u32 s26, $0x1;
	_ =	strace $0x80000046;
	[dreg:$0x1] =	wrdreg $0xFFFFFFFF  }
0xa7: {  	s28 =	simm.s32 $_size_execute0_lowered;
	s2 =	sadd.s32 s2, s4;
	[dreg:$0x0] =	wrdreg $0x0  }
0xa8: {  	s4 =	sshll.u32 s28, $0x1;
	[dreg:$0x2] =	wrdreg s2  }
0xa9: {  	[dreg:$0x3] =	wrdreg s4  }
0xaa: {  	[dreg:$0x4] =	wrdreg $0xC0  }
0xab: {  	_ =	task [dreg:s6], $0x5FFFF  }
0xac: {  	[dreg:$0x1] =	wrdreg $0xFFFFFFFF  }
0xad: {  	[dreg:$0x0] =	wrdreg $0x60  }
0xae: {  	[dreg:$0x2] =	wrdreg s24  }
0xaf: {  	[dreg:$0x3] =	wrdreg $0x9  }
0xb0: {  	_ =	task.clear_ibuf [dreg:s6], $0x4FFFF;
	_ =	strace $0x90000046  }
0xb1: {  	s29 =	simm.s32 $0x9;
	_ =	strace $0x80000048  }
0xb2: {  	_ =	swait.ge [sflag:s29], $0x1  }
0xb3: {  	[sflag:s29] =	ssyncadd.s32 $0xFFFFFFFF  }
0xb4: {  	_ =	strace $0x90000048  }
0xb5: {  	_ =	sfence  }
0xb6: {  	s30 =	sld [smem:$0x0];
	_ =	sdelay $0x2  }
0xb7: {  	s31 =	sshll.u32 s1, $0xD;
	s1 =	sshrl.u32 s1, $0x2  }
0xb8: {  	s3 =	sand.u32 $0x4000, s31;
	s1 =	sadd.s32 s1, s30  }
0xb9: {  	s0 =	sor.u32 s3, s0;
	s1 =	sshll.u32 s1, $0x11  }
0xba: {  	s0 =	sor.u32 s1, s0  }
0xbb: {  	s0 =	sadd.s32 $0x8F2B, s0  }
0xbc: {  	[sflag:s0] =	ssyncadd.remote.s32 $0x1  }
0xbd: {  	_ =	sfence.sel $0xFFFF  }
0xbe: {  	[dreg:$0x0] =	wrdreg $0xFFFFFFFF;
	(pc) =	sbr.abs _section_cstart, $3  }
0xbf: {  	[dreg:$0x1] =	wrdreg $0xFFFFFFFF  }
0xc0: {  	_ =	task.clear_ibuf [dreg:s6], $0x2FFFF;
	_ =	strace $0x9FFFFFFF  }
0xc1: {  	(tm) =	ssettm $0x7FFFFFFF  }
tec
execute0_lowered:
.L_overlay_start_1:
0x0: {  	(tag) =	ssettag $0x1  }
0x1: {  	s1 =	srdreg.scid;
	s0 =	stileid.u32  }
0x2: {  	s29 =	sand.u32 $0x1, s1;
	s31 =	sshll.u32 s0, $0x1  }
0x3: {  	s11 =	sor.u32 s29, s31  }
0x4: {  	s10 =	rddreg [dreg:$0x0];
	s3 =	smul.u32 $0x28A, s11  }
0x5: {  	s2 =	simm.s32 $0x0;
	s1 =	rddreg [dreg:$0x1]  }
0x6: {  	[smem:$0x7FF] =	sst s2;
	s3 =	sadd.s32 s3, s10  }
0x7: {  	_ =	strace $0x80000047;
	s4 =	sadd.s32 $0x62E00, s3;
	s3 =	simm.s32 $0x3  }
0x8: {  	[tilespmem:s2], [sflag:$0x3] =	stream.linear.gather [hbm4b:s4+s2], $0x1450, $0x38;
	[tilespmem:$0x9650] =	vst v63  }
0x9: {  	_ =	swait.ge [sflag:s3], $0x1450  }
0xa: {  	s6 =	simm.s32 $0x208;
	[sflag:s3] =	ssyncset.done $0x0  }
0xb: {  	s7 =	simm.s32 $0x1450;
	s5 =	sadd.s32 $0x1200, s10;
	[sflag:s3] =	ssyncadd.s32 $0xFFFFEBB0  }
0xc: {  	[tilespmem:s7], [sflag:$0x1] =	stream.indirect.gather [hbm4b:s5+s6], $0x20, s2, s6, $0xb8;
	[tilespmem:$0x9650] =	vst v63  }
0xd: {  	s8 =	simm.s32 $0x5550;
	s9 =	simm.s32 $0x1  }
0xe: {  	[tilespmem:s8], [sflag:$0x2] =	stream.indirect.gather [hbm4b:s5+s6], $0x20, s6, s6, $0xb8;
	[tilespmem:$0x9650] =	vst v63  }
0xf: {  	s12 =	smul.u32 $0x5140, s11;
	_ =	swait.ge [sflag:s9], $0x4100  }
0x10: {  	s13 =	sadd.s32 $0x68000, s10;
	[sflag:s9] =	ssyncset.done $0x0  }
0x11: {  	s10 =	sadd.s32 s13, s12;
	[sflag:s9] =	ssyncadd.s32 $0xFFFFBF00  }
0x12: {  	[hbm4b:s10+s2] =	stream.linear.scatter [tilespmem:s7], [sflag:$0x3], $0x4100, $0x38;
	[tilespmem:$0x9650] =	vst v63  }
0x13: {  	_ =	swait.ge [sflag:s3], $0x4100  }
0x14: {  	s14 =	smul.u32 $0x51400, s11;
	[sflag:s3] =	ssyncset.done $0x0  }
0x15: {  	s11 =	simm.s32 $0x410;
	s12 =	simm.s32 $0x2;
	[sflag:s3] =	ssyncadd.s32 $0xFFFFBF00  }
0x16: {  	[tilespmem:s7], [sflag:$0x1] =	stream.indirect.gather [hbm4b:s5+s6], $0x20, s11, s6, $0xb8;
	[tilespmem:$0x9650] =	vst v63  }
0x17: {  	s14 =	sshrl.u32 s14, $0x4;
	_ =	swait.ge [sflag:s12], $0x4100  }
0x18: {  	s30 =	sadd.s32 s13, s14;
	[sflag:s12] =	ssyncset.done $0x0  }
0x19: {  	s13 =	sadd.s32 $0x820, s30;
	[sflag:s12] =	ssyncadd.s32 $0xFFFFBF00  }
0x1a: {  	[hbm4b:s13+s2] =	stream.linear.scatter [tilespmem:s8], [sflag:$0x3], $0x4100, $0x38;
	[tilespmem:$0x9650] =	vst v63  }
0x1b: {  	_ =	swait.ge [sflag:s3], $0x4100  }
0x1c: {  	[sflag:s3] =	ssyncset.done $0x0  }
0x1d: {  	s14 =	simm.s32 $0x618;
	[sflag:s3] =	ssyncadd.s32 $0xFFFFBF00  }
0x1e: {  	[tilespmem:s8], [sflag:$0x2] =	stream.indirect.gather [hbm4b:s5+s6], $0x20, s14, s6, $0xb8;
	[tilespmem:$0x9650] =	vst v63  }
0x1f: {  	_ =	swait.ge [sflag:s9], $0x4100  }
0x20: {  	[sflag:s9] =	ssyncset.done $0x0  }
0x21: {  	s15 =	sadd.s32 $0x1040, s30;
	[sflag:s9] =	ssyncadd.s32 $0xFFFFBF00  }
0x22: {  	[hbm4b:s15+s2] =	stream.linear.scatter [tilespmem:s7], [sflag:$0x3], $0x4100, $0x38;
	[tilespmem:$0x9650] =	vst v63  }
0x23: {  	_ =	swait.ge [sflag:s3], $0x4100  }
0x24: {  	[sflag:s3] =	ssyncset.done $0x0  }
0x25: {  	s16 =	simm.s32 $0x820;
	[sflag:s3] =	ssyncadd.s32 $0xFFFFBF00  }
0x26: {  	[tilespmem:s7], [sflag:$0x1] =	stream.indirect.gather [hbm4b:s5+s6], $0x20, s16, s6, $0xb8;
	[tilespmem:$0x9650] =	vst v63  }
0x27: {  	_ =	swait.ge [sflag:s12], $0x4100  }
0x28: {  	[sflag:s12] =	ssyncset.done $0x0  }
0x29: {  	s17 =	sadd.s32 $0x1860, s30;
	[sflag:s12] =	ssyncadd.s32 $0xFFFFBF00  }
0x2a: {  	[hbm4b:s17+s2] =	stream.linear.scatter [tilespmem:s8], [sflag:$0x3], $0x4100, $0x38;
	[tilespmem:$0x9650] =	vst v63  }
0x2b: {  	_ =	swait.ge [sflag:s3], $0x4100  }
0x2c: {  	[sflag:s3] =	ssyncset.done $0x0  }
0x2d: {  	s18 =	simm.s32 $0xA28;
	[sflag:s3] =	ssyncadd.s32 $0xFFFFBF00  }
0x2e: {  	[tilespmem:s8], [sflag:$0x2] =	stream.indirect.gather [hbm4b:s5+s6], $0x20, s18, s6, $0xb8;
	[tilespmem:$0x9650] =	vst v63  }
0x2f: {  	_ =	swait.ge [sflag:s9], $0x4100  }
0x30: {  	[sflag:s9] =	ssyncset.done $0x0  }
0x31: {  	s19 =	sadd.s32 $0x2080, s30;
	[sflag:s9] =	ssyncadd.s32 $0xFFFFBF00  }
0x32: {  	[hbm4b:s19+s2] =	stream.linear.scatter [tilespmem:s7], [sflag:$0x3], $0x4100, $0x38;
	[tilespmem:$0x9650] =	vst v63  }
0x33: {  	_ =	swait.ge [sflag:s3], $0x4100  }
0x34: {  	[sflag:s3] =	ssyncset.done $0x0  }
0x35: {  	s20 =	simm.s32 $0xC30;
	[sflag:s3] =	ssyncadd.s32 $0xFFFFBF00  }
0x36: {  	[tilespmem:s7], [sflag:$0x1] =	stream.indirect.gather [hbm4b:s5+s6], $0x20, s20, s6, $0xb8;
	[tilespmem:$0x9650] =	vst v63  }
0x37: {  	_ =	swait.ge [sflag:s12], $0x4100  }
0x38: {  	[sflag:s12] =	ssyncset.done $0x0  }
0x39: {  	s21 =	sadd.s32 $0x28A0, s30;
	[sflag:s12] =	ssyncadd.s32 $0xFFFFBF00  }
0x3a: {  	[hbm4b:s21+s2] =	stream.linear.scatter [tilespmem:s8], [sflag:$0x3], $0x4100, $0x38;
	[tilespmem:$0x9650] =	vst v63  }
0x3b: {  	_ =	swait.ge [sflag:s3], $0x4100  }
0x3c: {  	[sflag:s3] =	ssyncset.done $0x0  }
0x3d: {  	s22 =	simm.s32 $0xE38;
	[sflag:s3] =	ssyncadd.s32 $0xFFFFBF00  }
0x3e: {  	[tilespmem:s8], [sflag:$0x2] =	stream.indirect.gather [hbm4b:s5+s6], $0x20, s22, s6, $0xb8;
	[tilespmem:$0x9650] =	vst v63  }
0x3f: {  	_ =	swait.ge [sflag:s9], $0x4100  }
0x40: {  	[sflag:s9] =	ssyncset.done $0x0  }
0x41: {  	s23 =	sadd.s32 $0x30C0, s30;
	[sflag:s9] =	ssyncadd.s32 $0xFFFFBF00  }
0x42: {  	[hbm4b:s23+s2] =	stream.linear.scatter [tilespmem:s7], [sflag:$0x3], $0x4100, $0x38;
	[tilespmem:$0x9650] =	vst v63  }
0x43: {  	_ =	swait.ge [sflag:s3], $0x4100  }
0x44: {  	[sflag:s3] =	ssyncset.done $0x0  }
0x45: {  	s24 =	simm.s32 $0x1040;
	[sflag:s3] =	ssyncadd.s32 $0xFFFFBF00  }
0x46: {  	[tilespmem:s7], [sflag:$0x1] =	stream.indirect.gather [hbm4b:s5+s6], $0x20, s24, s6, $0xb8;
	[tilespmem:$0x9650] =	vst v63  }
0x47: {  	_ =	swait.ge [sflag:s12], $0x4100  }
0x48: {  	[sflag:s12] =	ssyncset.done $0x0  }
0x49: {  	s25 =	sadd.s32 $0x38E0, s30;
	[sflag:s12] =	ssyncadd.s32 $0xFFFFBF00  }
0x4a: {  	[hbm4b:s25+s2] =	stream.linear.scatter [tilespmem:s8], [sflag:$0x3], $0x4100, $0x38;
	[tilespmem:$0x9650] =	vst v63  }
0x4b: {  	_ =	swait.ge [sflag:s3], $0x4100  }
0x4c: {  	[sflag:s3] =	ssyncset.done $0x0  }
0x4d: {  	s26 =	simm.s32 $0x1248;
	[sflag:s3] =	ssyncadd.s32 $0xFFFFBF00  }
0x4e: {  	[tilespmem:s8], [sflag:$0x2] =	stream.indirect.gather [hbm4b:s5+s6], $0x20, s26, s6, $0xb8;
	[tilespmem:$0x9650] =	vst v63  }
0x4f: {  	_ =	swait.ge [sflag:s9], $0x4100  }
0x50: {  	[sflag:s9] =	ssyncset.done $0x0  }
0x51: {  	s29 =	ssub.s32 $0x2, s29;
	s28 =	sadd.s32 $0x4100, s30;
	[sflag:s9] =	ssyncadd.s32 $0xFFFFBF00  }
0x52: {  	[hbm4b:s28+s2] =	stream.linear.scatter [tilespmem:s7], [sflag:$0x3], $0x4100, $0x38;
	[tilespmem:$0x9650] =	vst v63  }
0x53: {  	s31 =	sshrl.u32 s29, $0x1;
	_ =	swait.ge [sflag:s3], $0x4100  }
0x54: {  	s31 =	ssub.s32 s29, s31;
	[sflag:s3] =	ssyncset.done $0x0  }
0x55: {  	s29 =	sadd.s32 $0x4920, s30;
	s30 =	smax.u32 s31, $0x1;
	[sflag:s3] =	ssyncadd.s32 $0xFFFFBF00  }
0x56: {  	p0 =	sne.s32 s30, $0x1;
	_ =	swait.ge [sflag:s12], $0x4100  }
.Ltmp0:
0x57: {  	[sflag:s12] =	ssyncset.done $0x0;
	(pc) =	sbr.rel @!p0 .LBB2_2-.Ltmp0, $4  }
0x58: {  	[sflag:s12] =	ssyncadd.s32 $0xFFFFBF00  }
0x59: {  	[hbm4b:s29+s2] =	stream.linear.scatter [tilespmem:s8], [sflag:$0x3], $0x4100, $0x38;
	[tilespmem:$0x9650] =	vst v63  }
0x5a: {  	_ =	swait.ge [sflag:s3], $0x4100  }
0x5b: {  	s30 =	sadd.s32 $0xFFFFFFFF, s30;
	[sflag:s3] =	ssyncset.done $0x0  }
.LBB2_1:
0x5c: {  	p0 =	sne.s32 s30, $0x1;
	s30 =	sadd.s32 $0xFFFFFFFF, s30;
	[sflag:s3] =	ssyncadd.s32 $0xFFFFBF00  }
0x5d: {  	[tilespmem:s2], [sflag:$0x3] =	stream.linear.gather [hbm4b:s4+s2], $0x1450, $0x38;
	[tilespmem:$0x9650] =	vst v63  }
0x5e: {  	_ =	swait.ge [sflag:s3], $0x1450  }
0x5f: {  	[sflag:s3] =	ssyncset.done $0x0  }
0x60: {  	[sflag:s3] =	ssyncadd.s32 $0xFFFFEBB0  }
0x61: {  	[tilespmem:s7], [sflag:$0x1] =	stream.indirect.gather [hbm4b:s5+s6], $0x20, s2, s6, $0xb8;
	[tilespmem:$0x9650] =	vst v63  }
0x62: {  	_ = 	snop  }
0x63: {  	[tilespmem:s8], [sflag:$0x2] =	stream.indirect.gather [hbm4b:s5+s6], $0x20, s6, s6, $0xb8;
	[tilespmem:$0x9650] =	vst v63  }
0x64: {  	_ =	swait.ge [sflag:s9], $0x4100  }
0x65: {  	[sflag:s9] =	ssyncset.done $0x0  }
0x66: {  	[sflag:s9] =	ssyncadd.s32 $0xFFFFBF00  }
0x67: {  	[hbm4b:s10+s2] =	stream.linear.scatter [tilespmem:s7], [sflag:$0x3], $0x4100, $0x38;
	[tilespmem:$0x9650] =	vst v63  }
0x68: {  	_ =	swait.ge [sflag:s3], $0x4100  }
0x69: {  	[sflag:s3] =	ssyncset.done $0x0  }
0x6a: {  	[sflag:s3] =	ssyncadd.s32 $0xFFFFBF00  }
0x6b: {  	[tilespmem:s7], [sflag:$0x1] =	stream.indirect.gather [hbm4b:s5+s6], $0x20, s11, s6, $0xb8;
	[tilespmem:$0x9650] =	vst v63  }
0x6c: {  	_ =	swait.ge [sflag:s12], $0x4100  }
0x6d: {  	[sflag:s12] =	ssyncset.done $0x0  }
0x6e: {  	[sflag:s12] =	ssyncadd.s32 $0xFFFFBF00  }
0x6f: {  	[hbm4b:s13+s2] =	stream.linear.scatter [tilespmem:s8], [sflag:$0x3], $0x4100, $0x38;
	[tilespmem:$0x9650] =	vst v63  }
0x70: {  	_ =	swait.ge [sflag:s3], $0x4100  }
0x71: {  	[sflag:s3] =	ssyncset.done $0x0  }
0x72: {  	[sflag:s3] =	ssyncadd.s32 $0xFFFFBF00  }
0x73: {  	[tilespmem:s8], [sflag:$0x2] =	stream.indirect.gather [hbm4b:s5+s6], $0x20, s14, s6, $0xb8;
	[tilespmem:$0x9650] =	vst v63  }
0x74: {  	_ =	swait.ge [sflag:s9], $0x4100  }
0x75: {  	[sflag:s9] =	ssyncset.done $0x0  }
0x76: {  	[sflag:s9] =	ssyncadd.s32 $0xFFFFBF00  }
0x77: {  	[hbm4b:s15+s2] =	stream.linear.scatter [tilespmem:s7], [sflag:$0x3], $0x4100, $0x38;
	[tilespmem:$0x9650] =	vst v63  }
0x78: {  	_ =	swait.ge [sflag:s3], $0x4100  }
0x79: {  	[sflag:s3] =	ssyncset.done $0x0  }
0x7a: {  	[sflag:s3] =	ssyncadd.s32 $0xFFFFBF00  }
0x7b: {  	[tilespmem:s7], [sflag:$0x1] =	stream.indirect.gather [hbm4b:s5+s6], $0x20, s16, s6, $0xb8;
	[tilespmem:$0x9650] =	vst v63  }
0x7c: {  	_ =	swait.ge [sflag:s12], $0x4100  }
0x7d: {  	[sflag:s12] =	ssyncset.done $0x0  }
0x7e: {  	[sflag:s12] =	ssyncadd.s32 $0xFFFFBF00  }
0x7f: {  	[hbm4b:s17+s2] =	stream.linear.scatter [tilespmem:s8], [sflag:$0x3], $0x4100, $0x38;
	[tilespmem:$0x9650] =	vst v63  }
0x80: {  	_ =	swait.ge [sflag:s3], $0x4100  }
0x81: {  	[sflag:s3] =	ssyncset.done $0x0  }
0x82: {  	[sflag:s3] =	ssyncadd.s32 $0xFFFFBF00  }
0x83: {  	[tilespmem:s8], [sflag:$0x2] =	stream.indirect.gather [hbm4b:s5+s6], $0x20, s18, s6, $0xb8;
	[tilespmem:$0x9650] =	vst v63  }
0x84: {  	_ =	swait.ge [sflag:s9], $0x4100  }
0x85: {  	[sflag:s9] =	ssyncset.done $0x0  }
0x86: {  	[sflag:s9] =	ssyncadd.s32 $0xFFFFBF00  }
0x87: {  	[hbm4b:s19+s2] =	stream.linear.scatter [tilespmem:s7], [sflag:$0x3], $0x4100, $0x38;
	[tilespmem:$0x9650] =	vst v63  }
0x88: {  	_ =	swait.ge [sflag:s3], $0x4100  }
0x89: {  	[sflag:s3] =	ssyncset.done $0x0  }
0x8a: {  	[sflag:s3] =	ssyncadd.s32 $0xFFFFBF00  }
0x8b: {  	[tilespmem:s7], [sflag:$0x1] =	stream.indirect.gather [hbm4b:s5+s6], $0x20, s20, s6, $0xb8;
	[tilespmem:$0x9650] =	vst v63  }
0x8c: {  	_ =	swait.ge [sflag:s12], $0x4100  }
0x8d: {  	[sflag:s12] =	ssyncset.done $0x0  }
0x8e: {  	[sflag:s12] =	ssyncadd.s32 $0xFFFFBF00  }
0x8f: {  	[hbm4b:s21+s2] =	stream.linear.scatter [tilespmem:s8], [sflag:$0x3], $0x4100, $0x38;
	[tilespmem:$0x9650] =	vst v63  }
0x90: {  	_ =	swait.ge [sflag:s3], $0x4100  }
0x91: {  	[sflag:s3] =	ssyncset.done $0x0  }
0x92: {  	[sflag:s3] =	ssyncadd.s32 $0xFFFFBF00  }
0x93: {  	[tilespmem:s8], [sflag:$0x2] =	stream.indirect.gather [hbm4b:s5+s6], $0x20, s22, s6, $0xb8;
	[tilespmem:$0x9650] =	vst v63  }
0x94: {  	_ =	swait.ge [sflag:s9], $0x4100  }
0x95: {  	[sflag:s9] =	ssyncset.done $0x0  }
0x96: {  	[sflag:s9] =	ssyncadd.s32 $0xFFFFBF00  }
0x97: {  	[hbm4b:s23+s2] =	stream.linear.scatter [tilespmem:s7], [sflag:$0x3], $0x4100, $0x38;
	[tilespmem:$0x9650] =	vst v63  }
0x98: {  	_ =	swait.ge [sflag:s3], $0x4100  }
0x99: {  	[sflag:s3] =	ssyncset.done $0x0  }
0x9a: {  	[sflag:s3] =	ssyncadd.s32 $0xFFFFBF00  }
0x9b: {  	[tilespmem:s7], [sflag:$0x1] =	stream.indirect.gather [hbm4b:s5+s6], $0x20, s24, s6, $0xb8;
	[tilespmem:$0x9650] =	vst v63  }
0x9c: {  	_ =	swait.ge [sflag:s12], $0x4100  }
0x9d: {  	[sflag:s12] =	ssyncset.done $0x0  }
0x9e: {  	[sflag:s12] =	ssyncadd.s32 $0xFFFFBF00  }
0x9f: {  	[hbm4b:s25+s2] =	stream.linear.scatter [tilespmem:s8], [sflag:$0x3], $0x4100, $0x38;
	[tilespmem:$0x9650] =	vst v63  }
0xa0: {  	_ =	swait.ge [sflag:s3], $0x4100  }
0xa1: {  	[sflag:s3] =	ssyncset.done $0x0  }
0xa2: {  	[sflag:s3] =	ssyncadd.s32 $0xFFFFBF00  }
0xa3: {  	[tilespmem:s8], [sflag:$0x2] =	stream.indirect.gather [hbm4b:s5+s6], $0x20, s26, s6, $0xb8;
	[tilespmem:$0x9650] =	vst v63  }
0xa4: {  	_ =	swait.ge [sflag:s9], $0x4100  }
0xa5: {  	[sflag:s9] =	ssyncset.done $0x0  }
0xa6: {  	[sflag:s9] =	ssyncadd.s32 $0xFFFFBF00  }
0xa7: {  	[hbm4b:s28+s2] =	stream.linear.scatter [tilespmem:s7], [sflag:$0x3], $0x4100, $0x38;
	[tilespmem:$0x9650] =	vst v63  }
0xa8: {  	_ =	swait.ge [sflag:s3], $0x4100  }
0xa9: {  	[sflag:s3] =	ssyncset.done $0x0  }
0xaa: {  	[sflag:s3] =	ssyncadd.s32 $0xFFFFBF00  }
0xab: {  	_ =	swait.ge [sflag:s12], $0x4100  }
.Ltmp1:
0xac: {  	[sflag:s12] =	ssyncset.done $0x0;
	(pc) =	sbr.rel @p0 .LBB2_1-.Ltmp1, $4  }
0xad: {  	[sflag:s12] =	ssyncadd.s32 $0xFFFFBF00  }
0xae: {  	[hbm4b:s29+s2] =	stream.linear.scatter [tilespmem:s8], [sflag:$0x3], $0x4100, $0x38;
	[tilespmem:$0x9650] =	vst v63  }
0xaf: {  	_ =	swait.ge [sflag:s3], $0x4100  }
0xb0: {  	[sflag:s3] =	ssyncset.done $0x0  }
.LBB2_2:
0xb1: {  	[sflag:s3] =	ssyncadd.s32 $0xFFFFBF00  }
0xb2: {  	_ =	sfence.sel $0x180000  }
0xb3: {  	[bflag:$0x0] =	sbarrier.arrive $0xFFFF  }
0xb4: {  	p0 =	sne.s32 s0, $0x0;
	_ =	strace $0x90000047  }
0xb5: {  	s0 =	sadd.s32 @!p0 $0x100000, s1;
	[bflag:$0x2] =	sbarrier.arrive $0xFFFF  }
0xb6: {  	[sflag:s0] =	ssyncadd.tile.s32 @!p0 $0x1;
	_ =	shalt  }
.Lfunc_end2:
_tile_overlayer_lowered:
.L_overlay_start_2:
0xb7: {  	(tag) =	ssettag $0x2  }
0xb8: {  	s0 =	rddreg [dreg:$0x0];
	s2 =	stileid.u32  }
0xb9: {  	s1 =	rddreg [dreg:$0x1];
	p0 =	sne.s32 s2, $0x0  }
0xba: {  	s3 =	rddreg [dreg:$0x2];
	[bflag:$0x3] =	sbarrier.arrive $0xFFFF;
	s2 =	simm.s32 @!p0 $0x1C03  }
0xbb: {  	[timem:s3], [sflag:s2] =	dma.local @!p0 [hbm:s0], s1  }
0xbc: {  	s0 =	simm.s32 @!p0 $0x3  }
0xbd: {  	_ =	swait.ge @!p0 [sflag:s0], s1  }
0xbe: {  	s1 =	ssub.s32 @!p0 $0x0, s1;
	[sflag:s0] =	ssyncset.done @!p0 $0x0  }
0xbf: {  	[sflag:s0] =	ssyncadd.s32 @!p0 s1  }
0xc0: {  	[bflag:$0x3] =	sbarrier.arrive $0xFFFF  }
0xc1: {  	_ =	shalt  }

</sc_bundles>
